<compile_context>
chip_gen: v7x
topology: tpu7x:2x2x1
jax: 0.10.2.dev20260603
libtpu: 0.0.44.dev20260713+nightly
codegen_flags: <defaults>
</compile_context>

<pallas_src>
import functools

import jax
import jax.numpy as jnp
from jax import lax
from jax.experimental import pallas as pl
from jax.experimental.pallas import tpu as pltpu
from jax.experimental.pallas import tpu_sc as plsc

D_MODEL = 768
SEQ_LEN = 8192
LANES = 16
KREG = D_MODEL // LANES
KB = 8
N_TOK = 32768
NW = 32
TPW = N_TOK // NW
CH = 32
NBUF = 4
NCH = TPW // CH


def _sc_embed(seg_2d, table_flat):
    mesh = plsc.VectorSubcoreMesh(core_axis_name="c", subcore_axis_name="s")

    @functools.partial(
        pl.kernel,
        mesh=mesh,
        out_type=jax.ShapeDtypeStruct((N_TOK, D_MODEL), jnp.float32),
        scratch_types=[
            pltpu.VMEM((TPW,), jnp.int32),
            pltpu.VMEM((2, D_MODEL), jnp.float32),
            pltpu.VMEM((D_MODEL,), jnp.float32),
        ]
        + [pltpu.VMEM((CH, D_MODEL), jnp.float32) for _ in range(NBUF)]
        + [pltpu.SemaphoreType.DMA for _ in range(NBUF)],
    )
    def k(seg_hbm, tab_hbm, out_hbm, seg_v, tab_v, dif_v, *obs_sems):
        obs = obs_sems[:NBUF]
        sems = obs_sems[NBUF:]
        wid = lax.axis_index("s") * 2 + lax.axis_index("c")
        base = wid * TPW
        wpb = SEQ_LEN // TPW
        pltpu.sync_copy(tab_hbm, tab_v)
        pltpu.sync_copy(
            seg_hbm.at[wid // wpb, pl.ds((wid % wpb) * TPW, TPW)], seg_v
        )
        for kk in range(KREG):
            dif_v[pl.ds(kk * LANES, LANES)] = (
                tab_v[1, pl.ds(kk * LANES, LANES)]
                - tab_v[0, pl.ds(kk * LANES, LANES)]
            )

        def splat(fgrp, j):
            jv = lax.broadcast(j, (LANES,))
            return lax.gather(
                fgrp,
                jv[:, None],
                dimension_numbers=lax.GatherDimensionNumbers(
                    offset_dims=(),
                    collapsed_slice_dims=(0,),
                    start_index_map=(0,),
                ),
                slice_sizes=(1,),
                mode=lax.GatherScatterMode.PROMISE_IN_BOUNDS,
            )

        def fill(c, ob):
            def kb_body(kb, carry):
                cb = kb * KB * LANES
                t0s = [
                    tab_v[0, pl.ds(cb + i * LANES, LANES)] for i in range(KB)
                ]
                dfs = [dif_v[pl.ds(cb + i * LANES, LANES)] for i in range(KB)]

                def grp(g, carry2):
                    fgrp = seg_v[pl.ds(c * CH + g * LANES, LANES)].astype(
                        jnp.float32
                    )

                    def tok(j, carry3):
                        fj = splat(fgrp, j)
                        row = g * LANES + j
                        for i in range(KB):
                            ob[row, pl.ds(cb + i * LANES, LANES)] = (
                                t0s[i] + fj * dfs[i]
                            )
                        return carry3

                    lax.fori_loop(0, LANES, tok, 0)
                    return carry2

                lax.fori_loop(0, CH // LANES, grp, 0)
                return carry

            lax.fori_loop(0, KREG // KB, kb_body, 0)

        def flush(c, ob, sem):
            return pltpu.async_copy(
                ob, out_hbm.at[pl.ds(base + c * CH, CH)], sem
            )

        def drain(ob, sem):
            pltpu.make_async_copy(ob, out_hbm.at[pl.ds(base, CH)], sem).wait()

        def body(q, carry):
            c0 = q * NBUF
            for b in range(NBUF):

                @pl.when(q > 0)
                def _(b=b):
                    drain(obs[b], sems[b])

                fill(c0 + b, obs[b])
                flush(c0 + b, obs[b], sems[b])
            return carry

        lax.fori_loop(0, NCH // NBUF, body, 0)
        for b in range(NBUF):
            drain(obs[b], sems[b])

    return k(seg_2d, table_flat)


def kernel(segment_ids, table):
    b, s = segment_ids.shape
    out = _sc_embed(segment_ids.astype(jnp.int32), table)
    return out.reshape(b, s, D_MODEL)

# --- scband reference (transcript-rebuilt; emitter-appended) ---
"""Pipeline reference for scband-segment-embedding-46411416600652 (READ-ONLY COPY).

The authoritative reference and input builder live on the scoring server;
editing this copy changes nothing except your own understanding.
"""

import jax, jax.numpy as jnp
import numpy as np

d_model = 768
batch = 4
seq_len = 8192

def setup_inputs(seed: int = 0) -> dict:
    key = jax.random.key(seed)
    k1, k2 = jax.random.split(key)
    segment_ids = jax.random.randint(k1, (batch, seq_len), 0, 2, dtype=jnp.int64 if jax.config.jax_enable_x64 else jnp.int32)
    table = jax.random.normal(k2, (2, d_model), dtype=jnp.float32)
    return {"segment_ids": segment_ids, "table": table}

def reference(segment_ids, table):
    # nn.Embedding lookup: gather rows of table by segment_ids
    return jnp.take(table, segment_ids, axis=0)  # [batch, seq_len, d_model]

if __name__ == "__main__":
    import jax
    _d = setup_inputs()
    print(jax.jit(kernel)(*tuple(_d.values())))

</pallas_src>

<mosaic_0001>
#map = affine_map<(d0, d1) -> (0, 0)>
module attributes {stable_mosaic.version = 14 : i64} {
  func.func @k(%arg0: i32, %arg1: i32, %arg2: memref<4x8192xi32, #tpu.memory_space<hbm>>, %arg3: memref<2x768xf32, #tpu.memory_space<hbm>>, %arg4: memref<32768x768xf32, #tpu.memory_space<hbm>>, %arg5: memref<1024xi32, #tpu.memory_space<vmem>>, %arg6: memref<2x768xf32, #tpu.memory_space<vmem>>, %arg7: memref<768xf32, #tpu.memory_space<vmem>>, %arg8: memref<32x768xf32, #tpu.memory_space<vmem>>, %arg9: memref<32x768xf32, #tpu.memory_space<vmem>>, %arg10: memref<32x768xf32, #tpu.memory_space<vmem>>, %arg11: memref<32x768xf32, #tpu.memory_space<vmem>>, %arg12: memref<!tpu.dma_semaphore, #tpu.memory_space<semaphore_mem>>, %arg13: memref<!tpu.dma_semaphore, #tpu.memory_space<semaphore_mem>>, %arg14: memref<!tpu.dma_semaphore, #tpu.memory_space<semaphore_mem>>, %arg15: memref<!tpu.dma_semaphore, #tpu.memory_space<semaphore_mem>>) attributes {dimension_semantics = [#tpu.dimension_semantics<core_parallel>, #tpu.dimension_semantics<subcore_parallel>], iteration_bounds = array<i64: 2, 16>, scalar_prefetch = 0 : i64, scratch_operands = 11 : i64, tpu.core_type = #tpu.core_type<sc_vector_subcore>, window_params = [{transform_indices = #map}, {transform_indices = #map}, {transform_indices = #map}]} {
    %mul3A = arith.constant 2 : i32
    %mul3A_0 = arith.muli %arg1, %mul3A : i32
    %add3A = arith.addi %mul3A_0, %arg0 : i32
    %mul3A_1 = arith.constant 1024 : i32
    %mul3A_2 = arith.muli %add3A, %mul3A_1 : i32
    "tpu.region"() ({
      %run_scoped3A = tpu.sem_alloc : memref<!tpu.dma_semaphore, #tpu.memory_space<semaphore_mem>>
      tpu.enqueue_dma source(%arg3 : memref<2x768xf32, #tpu.memory_space<hbm>>) target(%arg6 : memref<2x768xf32, #tpu.memory_space<vmem>>) target_semaphore(%run_scoped3A : memref<!tpu.dma_semaphore, #tpu.memory_space<semaphore_mem>>)
      tpu.wait_dma2 semaphore(%run_scoped3A : memref<!tpu.dma_semaphore, #tpu.memory_space<semaphore_mem>>) src(%arg3 : memref<2x768xf32, #tpu.memory_space<hbm>>) dst(%arg6 : memref<2x768xf32, #tpu.memory_space<vmem>>)
      tpu.yield
    }) : () -> ()
    %jit3A = arith.constant 8 : i32
    %div3A = arith.divsi %add3A, %jit3A : i32
    %sign3A = arith.constant 0 : i32
    %sign3A_3 = arith.cmpi sgt, %add3A, %sign3A : i32
    %sign3A_4 = arith.extui %sign3A_3 : i1 to i32
    %sign3A_5 = arith.constant 0 : i32
    %sign3A_6 = arith.cmpi slt, %add3A, %sign3A_5 : i32
    %sign3A_7 = arith.extui %sign3A_6 : i1 to i32
    %sign3A_8 = arith.subi %sign3A_4, %sign3A_7 : i32
    %sign3A_9 = arith.constant 0 : i32
    %sign3A_10 = arith.cmpi sgt, %jit3A, %sign3A_9 : i32
    %sign3A_11 = arith.extui %sign3A_10 : i1 to i32
    %sign3A_12 = arith.constant 0 : i32
    %sign3A_13 = arith.cmpi slt, %jit3A, %sign3A_12 : i32
    %sign3A_14 = arith.extui %sign3A_13 : i1 to i32
    %sign3A_15 = arith.subi %sign3A_11, %sign3A_14 : i32
    %ne3A = arith.cmpi ne, %sign3A_8, %sign3A_15 : i32
    %rem3A = arith.remsi %add3A, %jit3A : i32
    %ne3A_16 = arith.constant 0 : i32
    %ne3A_17 = arith.cmpi ne, %rem3A, %ne3A_16 : i32
    %and3A = arith.andi %ne3A, %ne3A_17 : i1
    %sub3A = arith.constant 1 : i32
    %sub3A_18 = arith.subi %div3A, %sub3A : i32
    %select_n3A = arith.select %and3A, %sub3A_18, %div3A : i32
    %jit3A_19 = arith.constant 8 : i32
    %eq3A = arith.constant 0 : i32
    %eq3A_20 = arith.cmpi eq, %jit3A_19, %eq3A : i32
    %jit3A_21 = arith.constant 1 : i32
    %select_n3A_22 = arith.select %eq3A_20, %jit3A_21, %jit3A_19 : i32
    %rem3A_23 = arith.remsi %add3A, %select_n3A_22 : i32
    %ne3A_24 = arith.constant 0 : i32
    %ne3A_25 = arith.cmpi ne, %rem3A_23, %ne3A_24 : i32
    %lt3A = arith.constant 0 : i32
    %lt3A_26 = arith.cmpi slt, %rem3A_23, %lt3A : i32
    %lt3A_27 = arith.constant 0 : i32
    %lt3A_28 = arith.cmpi slt, %select_n3A_22, %lt3A_27 : i32
    %ne3A_29 = arith.xori %lt3A_26, %lt3A_28 : i1
    %and3A_30 = arith.andi %ne3A_29, %ne3A_25 : i1
    %add3A_31 = arith.addi %rem3A_23, %select_n3A_22 : i32
    %select_n3A_32 = arith.select %and3A_30, %add3A_31, %rem3A_23 : i32
    %mul3A_33 = arith.constant 1024 : i32
    %mul3A_34 = arith.muli %select_n3A_32, %mul3A_33 : i32
    "tpu.region"() ({
      %run_scoped3A = tpu.sem_alloc : memref<!tpu.dma_semaphore, #tpu.memory_space<semaphore_mem>>
      %dma_start3A = tpu.memref_slice %arg2[%select_n3A, %mul3A_34] : memref<4x8192xi32, #tpu.memory_space<hbm>> -> memref<1x1024xi32, #tpu.memory_space<hbm>>
      %dma_start3A_773 = tpu.memref_squeeze %dma_start3A : memref<1x1024xi32, #tpu.memory_space<hbm>> -> memref<1024xi32, #tpu.memory_space<hbm>>
      %dma_start3A_774 = tpu.memref_slice %arg2[%select_n3A, %mul3A_34] : memref<4x8192xi32, #tpu.memory_space<hbm>> -> memref<1x1024xi32, #tpu.memory_space<hbm>>
      %dma_start3A_775 = tpu.memref_squeeze %dma_start3A_774 : memref<1x1024xi32, #tpu.memory_space<hbm>> -> memref<1024xi32, #tpu.memory_space<hbm>>
      tpu.enqueue_dma source(%dma_start3A_775 : memref<1024xi32, #tpu.memory_space<hbm>>) target(%arg5 : memref<1024xi32, #tpu.memory_space<vmem>>) target_semaphore(%run_scoped3A : memref<!tpu.dma_semaphore, #tpu.memory_space<semaphore_mem>>)
      %dma_wait3A_776 = tpu.memref_slice %arg2[%select_n3A, %mul3A_34] : memref<4x8192xi32, #tpu.memory_space<hbm>> -> memref<1x1024xi32, #tpu.memory_space<hbm>>
      %dma_wait3A_777 = tpu.memref_squeeze %dma_wait3A_776 : memref<1x1024xi32, #tpu.memory_space<hbm>> -> memref<1024xi32, #tpu.memory_space<hbm>>
      %dma_wait3A_778 = tpu.memref_slice %arg2[%select_n3A, %mul3A_34] : memref<4x8192xi32, #tpu.memory_space<hbm>> -> memref<1x1024xi32, #tpu.memory_space<hbm>>
      %dma_wait3A_779 = tpu.memref_squeeze %dma_wait3A_778 : memref<1x1024xi32, #tpu.memory_space<hbm>> -> memref<1024xi32, #tpu.memory_space<hbm>>
      tpu.wait_dma2 semaphore(%run_scoped3A : memref<!tpu.dma_semaphore, #tpu.memory_space<semaphore_mem>>) src(%dma_wait3A_779 : memref<1024xi32, #tpu.memory_space<hbm>>) dst(%arg5 : memref<1024xi32, #tpu.memory_space<vmem>>)
      tpu.yield
    }) : () -> ()
    %get3A = arith.constant 1 : i32
    %get3A_35 = arith.index_cast %get3A : i32 to index
    %get3A_36 = arith.constant 0 : index
    %get3A_37 = tpu.vector_load %arg6[%get3A_35, %get3A_36] {strides = array<i32>} : memref<2x768xf32, #tpu.memory_space<vmem>>, vector<1x16xf32>,
    %get3A_38 = vector.shape_cast %get3A_37 : vector<1x16xf32> to vector<16xf32>
    %get3A_39 = arith.constant 0 : i32
    %get3A_40 = arith.index_cast %get3A_39 : i32 to index
    %get3A_41 = arith.constant 0 : index
    %get3A_42 = tpu.vector_load %arg6[%get3A_40, %get3A_41] {strides = array<i32>} : memref<2x768xf32, #tpu.memory_space<vmem>>, vector<1x16xf32>,
    %get3A_43 = vector.shape_cast %get3A_42 : vector<1x16xf32> to vector<16xf32>
    %sub3A_44 = arith.subf %get3A_38, %get3A_43 : vector<16xf32>
    %swap3A = arith.constant 0 : index
    %swap3A_45 = tpu.vector_load %arg7[%swap3A] {strides = array<i32>} : memref<768xf32, #tpu.memory_space<vmem>>, vector<16xf32>,
    %swap3A_46 = vector.shape_cast %swap3A_45 : vector<16xf32> to vector<16xf32>
    %swap3A_47 = vector.shape_cast %sub3A_44 : vector<16xf32> to vector<16xf32>
    tpu.vector_store %arg7[%swap3A], %swap3A_47 {strides = array<i32>} : memref<768xf32, #tpu.memory_space<vmem>>, vector<16xf32>,
    %get3A_48 = arith.constant 1 : i32
    %get3A_49 = arith.index_cast %get3A_48 : i32 to index
    %get3A_50 = arith.constant 16 : index
    %get3A_51 = tpu.vector_load %arg6[%get3A_49, %get3A_50] {strides = array<i32>} : memref<2x768xf32, #tpu.memory_space<vmem>>, vector<1x16xf32>,
    %get3A_52 = vector.shape_cast %get3A_51 : vector<1x16xf32> to vector<16xf32>
    %get3A_53 = arith.constant 0 : i32
    %get3A_54 = arith.index_cast %get3A_53 : i32 to index
    %get3A_55 = arith.constant 16 : index
    %get3A_56 = tpu.vector_load %arg6[%get3A_54, %get3A_55] {strides = array<i32>} : memref<2x768xf32, #tpu.memory_space<vmem>>, vector<1x16xf32>,
    %get3A_57 = vector.shape_cast %get3A_56 : vector<1x16xf32> to vector<16xf32>
    %sub3A_58 = arith.subf %get3A_52, %get3A_57 : vector<16xf32>
    %swap3A_59 = arith.constant 16 : index
    %swap3A_60 = tpu.vector_load %arg7[%swap3A_59] {strides = array<i32>} : memref<768xf32, #tpu.memory_space<vmem>>, vector<16xf32>,
    %swap3A_61 = vector.shape_cast %swap3A_60 : vector<16xf32> to vector<16xf32>
    %swap3A_62 = vector.shape_cast %sub3A_58 : vector<16xf32> to vector<16xf32>
    tpu.vector_store %arg7[%swap3A_59], %swap3A_62 {strides = array<i32>} : memref<768xf32, #tpu.memory_space<vmem>>, vector<16xf32>,
    %get3A_63 = arith.constant 1 : i32
    %get3A_64 = arith.index_cast %get3A_63 : i32 to index
    %get3A_65 = arith.constant 32 : index
    %get3A_66 = tpu.vector_load %arg6[%get3A_64, %get3A_65] {strides = array<i32>} : memref<2x768xf32, #tpu.memory_space<vmem>>, vector<1x16xf32>,
    %get3A_67 = vector.shape_cast %get3A_66 : vector<1x16xf32> to vector<16xf32>
    %get3A_68 = arith.constant 0 : i32
    %get3A_69 = arith.index_cast %get3A_68 : i32 to index
    %get3A_70 = arith.constant 32 : index
    %get3A_71 = tpu.vector_load %arg6[%get3A_69, %get3A_70] {strides = array<i32>} : memref<2x768xf32, #tpu.memory_space<vmem>>, vector<1x16xf32>,
    %get3A_72 = vector.shape_cast %get3A_71 : vector<1x16xf32> to vector<16xf32>
    %sub3A_73 = arith.subf %get3A_67, %get3A_72 : vector<16xf32>
    %swap3A_74 = arith.constant 32 : index
    %swap3A_75 = tpu.vector_load %arg7[%swap3A_74] {strides = array<i32>} : memref<768xf32, #tpu.memory_space<vmem>>, vector<16xf32>,
    %swap3A_76 = vector.shape_cast %swap3A_75 : vector<16xf32> to vector<16xf32>
    %swap3A_77 = vector.shape_cast %sub3A_73 : vector<16xf32> to vector<16xf32>
    tpu.vector_store %arg7[%swap3A_74], %swap3A_77 {strides = array<i32>} : memref<768xf32, #tpu.memory_space<vmem>>, vector<16xf32>,
    %get3A_78 = arith.constant 1 : i32
    %get3A_79 = arith.index_cast %get3A_78 : i32 to index
    %get3A_80 = arith.constant 48 : index
    %get3A_81 = tpu.vector_load %arg6[%get3A_79, %get3A_80] {strides = array<i32>} : memref<2x768xf32, #tpu.memory_space<vmem>>, vector<1x16xf32>,
    %get3A_82 = vector.shape_cast %get3A_81 : vector<1x16xf32> to vector<16xf32>
    %get3A_83 = arith.constant 0 : i32
    %get3A_84 = arith.index_cast %get3A_83 : i32 to index
    %get3A_85 = arith.constant 48 : index
    %get3A_86 = tpu.vector_load %arg6[%get3A_84, %get3A_85] {strides = array<i32>} : memref<2x768xf32, #tpu.memory_space<vmem>>, vector<1x16xf32>,
    %get3A_87 = vector.shape_cast %get3A_86 : vector<1x16xf32> to vector<16xf32>
    %sub3A_88 = arith.subf %get3A_82, %get3A_87 : vector<16xf32>
    %swap3A_89 = arith.constant 48 : index
    %swap3A_90 = tpu.vector_load %arg7[%swap3A_89] {strides = array<i32>} : memref<768xf32, #tpu.memory_space<vmem>>, vector<16xf32>,
    %swap3A_91 = vector.shape_cast %swap3A_90 : vector<16xf32> to vector<16xf32>
    %swap3A_92 = vector.shape_cast %sub3A_88 : vector<16xf32> to vector<16xf32>
    tpu.vector_store %arg7[%swap3A_89], %swap3A_92 {strides = array<i32>} : memref<768xf32, #tpu.memory_space<vmem>>, vector<16xf32>,
    %get3A_93 = arith.constant 1 : i32
    %get3A_94 = arith.index_cast %get3A_93 : i32 to index
    %get3A_95 = arith.constant 64 : index
    %get3A_96 = tpu.vector_load %arg6[%get3A_94, %get3A_95] {strides = array<i32>} : memref<2x768xf32, #tpu.memory_space<vmem>>, vector<1x16xf32>,
    %get3A_97 = vector.shape_cast %get3A_96 : vector<1x16xf32> to vector<16xf32>
    %get3A_98 = arith.constant 0 : i32
    %get3A_99 = arith.index_cast %get3A_98 : i32 to index
    %get3A_100 = arith.constant 64 : index
    %get3A_101 = tpu.vector_load %arg6[%get3A_99, %get3A_100] {strides = array<i32>} : memref<2x768xf32, #tpu.memory_space<vmem>>, vector<1x16xf32>,
    %get3A_102 = vector.shape_cast %get3A_101 : vector<1x16xf32> to vector<16xf32>
    %sub3A_103 = arith.subf %get3A_97, %get3A_102 : vector<16xf32>
    %swap3A_104 = arith.constant 64 : index
    %swap3A_105 = tpu.vector_load %arg7[%swap3A_104] {strides = array<i32>} : memref<768xf32, #tpu.memory_space<vmem>>, vector<16xf32>,
    %swap3A_106 = vector.shape_cast %swap3A_105 : vector<16xf32> to vector<16xf32>
    %swap3A_107 = vector.shape_cast %sub3A_103 : vector<16xf32> to vector<16xf32>
    tpu.vector_store %arg7[%swap3A_104], %swap3A_107 {strides = array<i32>} : memref<768xf32, #tpu.memory_space<vmem>>, vector<16xf32>,
    %get3A_108 = arith.constant 1 : i32
    %get3A_109 = arith.index_cast %get3A_108 : i32 to index
    %get3A_110 = arith.constant 80 : index
    %get3A_111 = tpu.vector_load %arg6[%get3A_109, %get3A_110] {strides = array<i32>} : memref<2x768xf32, #tpu.memory_space<vmem>>, vector<1x16xf32>,
    %get3A_112 = vector.shape_cast %get3A_111 : vector<1x16xf32> to vector<16xf32>
    %get3A_113 = arith.constant 0 : i32
    %get3A_114 = arith.index_cast %get3A_113 : i32 to index
    %get3A_115 = arith.constant 80 : index
    %get3A_116 = tpu.vector_load %arg6[%get3A_114, %get3A_115] {strides = array<i32>} : memref<2x768xf32, #tpu.memory_space<vmem>>, vector<1x16xf32>,
    %get3A_117 = vector.shape_cast %get3A_116 : vector<1x16xf32> to vector<16xf32>
    %sub3A_118 = arith.subf %get3A_112, %get3A_117 : vector<16xf32>
    %swap3A_119 = arith.constant 80 : index
    %swap3A_120 = tpu.vector_load %arg7[%swap3A_119] {strides = array<i32>} : memref<768xf32, #tpu.memory_space<vmem>>, vector<16xf32>,
    %swap3A_121 = vector.shape_cast %swap3A_120 : vector<16xf32> to vector<16xf32>
    %swap3A_122 = vector.shape_cast %sub3A_118 : vector<16xf32> to vector<16xf32>
    tpu.vector_store %arg7[%swap3A_119], %swap3A_122 {strides = array<i32>} : memref<768xf32, #tpu.memory_space<vmem>>, vector<16xf32>,
    %get3A_123 = arith.constant 1 : i32
    %get3A_124 = arith.index_cast %get3A_123 : i32 to index
    %get3A_125 = arith.constant 96 : index
    %get3A_126 = tpu.vector_load %arg6[%get3A_124, %get3A_125] {strides = array<i32>} : memref<2x768xf32, #tpu.memory_space<vmem>>, vector<1x16xf32>,
    %get3A_127 = vector.shape_cast %get3A_126 : vector<1x16xf32> to vector<16xf32>
    %get3A_128 = arith.constant 0 : i32
    %get3A_129 = arith.index_cast %get3A_128 : i32 to index
    %get3A_130 = arith.constant 96 : index
    %get3A_131 = tpu.vector_load %arg6[%get3A_129, %get3A_130] {strides = array<i32>} : memref<2x768xf32, #tpu.memory_space<vmem>>, vector<1x16xf32>,
    %get3A_132 = vector.shape_cast %get3A_131 : vector<1x16xf32> to vector<16xf32>
    %sub3A_133 = arith.subf %get3A_127, %get3A_132 : vector<16xf32>
    %swap3A_134 = arith.constant 96 : index
    %swap3A_135 = tpu.vector_load %arg7[%swap3A_134] {strides = array<i32>} : memref<768xf32, #tpu.memory_space<vmem>>, vector<16xf32>,
    %swap3A_136 = vector.shape_cast %swap3A_135 : vector<16xf32> to vector<16xf32>
    %swap3A_137 = vector.shape_cast %sub3A_133 : vector<16xf32> to vector<16xf32>
    tpu.vector_store %arg7[%swap3A_134], %swap3A_137 {strides = array<i32>} : memref<768xf32, #tpu.memory_space<vmem>>, vector<16xf32>,
    %get3A_138 = arith.constant 1 : i32
    %get3A_139 = arith.index_cast %get3A_138 : i32 to index
    %get3A_140 = arith.constant 112 : index
    %get3A_141 = tpu.vector_load %arg6[%get3A_139, %get3A_140] {strides = array<i32>} : memref<2x768xf32, #tpu.memory_space<vmem>>, vector<1x16xf32>,
    %get3A_142 = vector.shape_cast %get3A_141 : vector<1x16xf32> to vector<16xf32>
    %get3A_143 = arith.constant 0 : i32
    %get3A_144 = arith.index_cast %get3A_143 : i32 to index
    %get3A_145 = arith.constant 112 : index
    %get3A_146 = tpu.vector_load %arg6[%get3A_144, %get3A_145] {strides = array<i32>} : memref<2x768xf32, #tpu.memory_space<vmem>>, vector<1x16xf32>,
    %get3A_147 = vector.shape_cast %get3A_146 : vector<1x16xf32> to vector<16xf32>
    %sub3A_148 = arith.subf %get3A_142, %get3A_147 : vector<16xf32>
    %swap3A_149 = arith.constant 112 : index
    %swap3A_150 = tpu.vector_load %arg7[%swap3A_149] {strides = array<i32>} : memref<768xf32, #tpu.memory_space<vmem>>, vector<16xf32>,
    %swap3A_151 = vector.shape_cast %swap3A_150 : vector<16xf32> to vector<16xf32>
    %swap3A_152 = vector.shape_cast %sub3A_148 : vector<16xf32> to vector<16xf32>
    tpu.vector_store %arg7[%swap3A_149], %swap3A_152 {strides = array<i32>} : memref<768xf32, #tpu.memory_space<vmem>>, vector<16xf32>,
    %get3A_153 = arith.constant 1 : i32
    %get3A_154 = arith.index_cast %get3A_153 : i32 to index
    %get3A_155 = arith.constant 128 : index
    %get3A_156 = tpu.vector_load %arg6[%get3A_154, %get3A_155] {strides = array<i32>} : memref<2x768xf32, #tpu.memory_space<vmem>>, vector<1x16xf32>,
    %get3A_157 = vector.shape_cast %get3A_156 : vector<1x16xf32> to vector<16xf32>
    %get3A_158 = arith.constant 0 : i32
    %get3A_159 = arith.index_cast %get3A_158 : i32 to index
    %get3A_160 = arith.constant 128 : index
    %get3A_161 = tpu.vector_load %arg6[%get3A_159, %get3A_160] {strides = array<i32>} : memref<2x768xf32, #tpu.memory_space<vmem>>, vector<1x16xf32>,
    %get3A_162 = vector.shape_cast %get3A_161 : vector<1x16xf32> to vector<16xf32>
    %sub3A_163 = arith.subf %get3A_157, %get3A_162 : vector<16xf32>
    %swap3A_164 = arith.constant 128 : index
    %swap3A_165 = tpu.vector_load %arg7[%swap3A_164] {strides = array<i32>} : memref<768xf32, #tpu.memory_space<vmem>>, vector<16xf32>,
    %swap3A_166 = vector.shape_cast %swap3A_165 : vector<16xf32> to vector<16xf32>
    %swap3A_167 = vector.shape_cast %sub3A_163 : vector<16xf32> to vector<16xf32>
    tpu.vector_store %arg7[%swap3A_164], %swap3A_167 {strides = array<i32>} : memref<768xf32, #tpu.memory_space<vmem>>, vector<16xf32>,
    %get3A_168 = arith.constant 1 : i32
    %get3A_169 = arith.index_cast %get3A_168 : i32 to index
    %get3A_170 = arith.constant 144 : index
    %get3A_171 = tpu.vector_load %arg6[%get3A_169, %get3A_170] {strides = array<i32>} : memref<2x768xf32, #tpu.memory_space<vmem>>, vector<1x16xf32>,
    %get3A_172 = vector.shape_cast %get3A_171 : vector<1x16xf32> to vector<16xf32>
    %get3A_173 = arith.constant 0 : i32
    %get3A_174 = arith.index_cast %get3A_173 : i32 to index
    %get3A_175 = arith.constant 144 : index
    %get3A_176 = tpu.vector_load %arg6[%get3A_174, %get3A_175] {strides = array<i32>} : memref<2x768xf32, #tpu.memory_space<vmem>>, vector<1x16xf32>,
    %get3A_177 = vector.shape_cast %get3A_176 : vector<1x16xf32> to vector<16xf32>
    %sub3A_178 = arith.subf %get3A_172, %get3A_177 : vector<16xf32>
    %swap3A_179 = arith.constant 144 : index
    %swap3A_180 = tpu.vector_load %arg7[%swap3A_179] {strides = array<i32>} : memref<768xf32, #tpu.memory_space<vmem>>, vector<16xf32>,
    %swap3A_181 = vector.shape_cast %swap3A_180 : vector<16xf32> to vector<16xf32>
    %swap3A_182 = vector.shape_cast %sub3A_178 : vector<16xf32> to vector<16xf32>
    tpu.vector_store %arg7[%swap3A_179], %swap3A_182 {strides = array<i32>} : memref<768xf32, #tpu.memory_space<vmem>>, vector<16xf32>,
    %get3A_183 = arith.constant 1 : i32
    %get3A_184 = arith.index_cast %get3A_183 : i32 to index
    %get3A_185 = arith.constant 160 : index
    %get3A_186 = tpu.vector_load %arg6[%get3A_184, %get3A_185] {strides = array<i32>} : memref<2x768xf32, #tpu.memory_space<vmem>>, vector<1x16xf32>,
    %get3A_187 = vector.shape_cast %get3A_186 : vector<1x16xf32> to vector<16xf32>
    %get3A_188 = arith.constant 0 : i32
    %get3A_189 = arith.index_cast %get3A_188 : i32 to index
    %get3A_190 = arith.constant 160 : index
    %get3A_191 = tpu.vector_load %arg6[%get3A_189, %get3A_190] {strides = array<i32>} : memref<2x768xf32, #tpu.memory_space<vmem>>, vector<1x16xf32>,
    %get3A_192 = vector.shape_cast %get3A_191 : vector<1x16xf32> to vector<16xf32>
    %sub3A_193 = arith.subf %get3A_187, %get3A_192 : vector<16xf32>
    %swap3A_194 = arith.constant 160 : index
    %swap3A_195 = tpu.vector_load %arg7[%swap3A_194] {strides = array<i32>} : memref<768xf32, #tpu.memory_space<vmem>>, vector<16xf32>,
    %swap3A_196 = vector.shape_cast %swap3A_195 : vector<16xf32> to vector<16xf32>
    %swap3A_197 = vector.shape_cast %sub3A_193 : vector<16xf32> to vector<16xf32>
    tpu.vector_store %arg7[%swap3A_194], %swap3A_197 {strides = array<i32>} : memref<768xf32, #tpu.memory_space<vmem>>, vector<16xf32>,
    %get3A_198 = arith.constant 1 : i32
    %get3A_199 = arith.index_cast %get3A_198 : i32 to index
    %get3A_200 = arith.constant 176 : index
    %get3A_201 = tpu.vector_load %arg6[%get3A_199, %get3A_200] {strides = array<i32>} : memref<2x768xf32, #tpu.memory_space<vmem>>, vector<1x16xf32>,
    %get3A_202 = vector.shape_cast %get3A_201 : vector<1x16xf32> to vector<16xf32>
    %get3A_203 = arith.constant 0 : i32
    %get3A_204 = arith.index_cast %get3A_203 : i32 to index
    %get3A_205 = arith.constant 176 : index
    %get3A_206 = tpu.vector_load %arg6[%get3A_204, %get3A_205] {strides = array<i32>} : memref<2x768xf32, #tpu.memory_space<vmem>>, vector<1x16xf32>,
    %get3A_207 = vector.shape_cast %get3A_206 : vector<1x16xf32> to vector<16xf32>
    %sub3A_208 = arith.subf %get3A_202, %get3A_207 : vector<16xf32>
    %swap3A_209 = arith.constant 176 : index
    %swap3A_210 = tpu.vector_load %arg7[%swap3A_209] {strides = array<i32>} : memref<768xf32, #tpu.memory_space<vmem>>, vector<16xf32>,
    %swap3A_211 = vector.shape_cast %swap3A_210 : vector<16xf32> to vector<16xf32>
    %swap3A_212 = vector.shape_cast %sub3A_208 : vector<16xf32> to vector<16xf32>
    tpu.vector_store %arg7[%swap3A_209], %swap3A_212 {strides = array<i32>} : memref<768xf32, #tpu.memory_space<vmem>>, vector<16xf32>,
    %get3A_213 = arith.constant 1 : i32
    %get3A_214 = arith.index_cast %get3A_213 : i32 to index
    %get3A_215 = arith.constant 192 : index
    %get3A_216 = tpu.vector_load %arg6[%get3A_214, %get3A_215] {strides = array<i32>} : memref<2x768xf32, #tpu.memory_space<vmem>>, vector<1x16xf32>,
    %get3A_217 = vector.shape_cast %get3A_216 : vector<1x16xf32> to vector<16xf32>
    %get3A_218 = arith.constant 0 : i32
    %get3A_219 = arith.index_cast %get3A_218 : i32 to index
    %get3A_220 = arith.constant 192 : index
    %get3A_221 = tpu.vector_load %arg6[%get3A_219, %get3A_220] {strides = array<i32>} : memref<2x768xf32, #tpu.memory_space<vmem>>, vector<1x16xf32>,
    %get3A_222 = vector.shape_cast %get3A_221 : vector<1x16xf32> to vector<16xf32>
    %sub3A_223 = arith.subf %get3A_217, %get3A_222 : vector<16xf32>
    %swap3A_224 = arith.constant 192 : index
    %swap3A_225 = tpu.vector_load %arg7[%swap3A_224] {strides = array<i32>} : memref<768xf32, #tpu.memory_space<vmem>>, vector<16xf32>,
    %swap3A_226 = vector.shape_cast %swap3A_225 : vector<16xf32> to vector<16xf32>
    %swap3A_227 = vector.shape_cast %sub3A_223 : vector<16xf32> to vector<16xf32>
    tpu.vector_store %arg7[%swap3A_224], %swap3A_227 {strides = array<i32>} : memref<768xf32, #tpu.memory_space<vmem>>, vector<16xf32>,
    %get3A_228 = arith.constant 1 : i32
    %get3A_229 = arith.index_cast %get3A_228 : i32 to index
    %get3A_230 = arith.constant 208 : index
    %get3A_231 = tpu.vector_load %arg6[%get3A_229, %get3A_230] {strides = array<i32>} : memref<2x768xf32, #tpu.memory_space<vmem>>, vector<1x16xf32>,
    %get3A_232 = vector.shape_cast %get3A_231 : vector<1x16xf32> to vector<16xf32>
    %get3A_233 = arith.constant 0 : i32
    %get3A_234 = arith.index_cast %get3A_233 : i32 to index
    %get3A_235 = arith.constant 208 : index
    %get3A_236 = tpu.vector_load %arg6[%get3A_234, %get3A_235] {strides = array<i32>} : memref<2x768xf32, #tpu.memory_space<vmem>>, vector<1x16xf32>,
    %get3A_237 = vector.shape_cast %get3A_236 : vector<1x16xf32> to vector<16xf32>
    %sub3A_238 = arith.subf %get3A_232, %get3A_237 : vector<16xf32>
    %swap3A_239 = arith.constant 208 : index
    %swap3A_240 = tpu.vector_load %arg7[%swap3A_239] {strides = array<i32>} : memref<768xf32, #tpu.memory_space<vmem>>, vector<16xf32>,
    %swap3A_241 = vector.shape_cast %swap3A_240 : vector<16xf32> to vector<16xf32>
    %swap3A_242 = vector.shape_cast %sub3A_238 : vector<16xf32> to vector<16xf32>
    tpu.vector_store %arg7[%swap3A_239], %swap3A_242 {strides = array<i32>} : memref<768xf32, #tpu.memory_space<vmem>>, vector<16xf32>,
    %get3A_243 = arith.constant 1 : i32
    %get3A_244 = arith.index_cast %get3A_243 : i32 to index
    %get3A_245 = arith.constant 224 : index
    %get3A_246 = tpu.vector_load %arg6[%get3A_244, %get3A_245] {strides = array<i32>} : memref<2x768xf32, #tpu.memory_space<vmem>>, vector<1x16xf32>,
    %get3A_247 = vector.shape_cast %get3A_246 : vector<1x16xf32> to vector<16xf32>
    %get3A_248 = arith.constant 0 : i32
    %get3A_249 = arith.index_cast %get3A_248 : i32 to index
    %get3A_250 = arith.constant 224 : index
    %get3A_251 = tpu.vector_load %arg6[%get3A_249, %get3A_250] {strides = array<i32>} : memref<2x768xf32, #tpu.memory_space<vmem>>, vector<1x16xf32>,
    %get3A_252 = vector.shape_cast %get3A_251 : vector<1x16xf32> to vector<16xf32>
    %sub3A_253 = arith.subf %get3A_247, %get3A_252 : vector<16xf32>
    %swap3A_254 = arith.constant 224 : index
    %swap3A_255 = tpu.vector_load %arg7[%swap3A_254] {strides = array<i32>} : memref<768xf32, #tpu.memory_space<vmem>>, vector<16xf32>,
    %swap3A_256 = vector.shape_cast %swap3A_255 : vector<16xf32> to vector<16xf32>
    %swap3A_257 = vector.shape_cast %sub3A_253 : vector<16xf32> to vector<16xf32>
    tpu.vector_store %arg7[%swap3A_254], %swap3A_257 {strides = array<i32>} : memref<768xf32, #tpu.memory_space<vmem>>, vector<16xf32>,
    %get3A_258 = arith.constant 1 : i32
    %get3A_259 = arith.index_cast %get3A_258 : i32 to index
    %get3A_260 = arith.constant 240 : index
    %get3A_261 = tpu.vector_load %arg6[%get3A_259, %get3A_260] {strides = array<i32>} : memref<2x768xf32, #tpu.memory_space<vmem>>, vector<1x16xf32>,
    %get3A_262 = vector.shape_cast %get3A_261 : vector<1x16xf32> to vector<16xf32>
    %get3A_263 = arith.constant 0 : i32
    %get3A_264 = arith.index_cast %get3A_263 : i32 to index
    %get3A_265 = arith.constant 240 : index
    %get3A_266 = tpu.vector_load %arg6[%get3A_264, %get3A_265] {strides = array<i32>} : memref<2x768xf32, #tpu.memory_space<vmem>>, vector<1x16xf32>,
    %get3A_267 = vector.shape_cast %get3A_266 : vector<1x16xf32> to vector<16xf32>
    %sub3A_268 = arith.subf %get3A_262, %get3A_267 : vector<16xf32>
    %swap3A_269 = arith.constant 240 : index
    %swap3A_270 = tpu.vector_load %arg7[%swap3A_269] {strides = array<i32>} : memref<768xf32, #tpu.memory_space<vmem>>, vector<16xf32>,
    %swap3A_271 = vector.shape_cast %swap3A_270 : vector<16xf32> to vector<16xf32>
    %swap3A_272 = vector.shape_cast %sub3A_268 : vector<16xf32> to vector<16xf32>
    tpu.vector_store %arg7[%swap3A_269], %swap3A_272 {strides = array<i32>} : memref<768xf32, #tpu.memory_space<vmem>>, vector<16xf32>,
    %get3A_273 = arith.constant 1 : i32
    %get3A_274 = arith.index_cast %get3A_273 : i32 to index
    %get3A_275 = arith.constant 256 : index
    %get3A_276 = tpu.vector_load %arg6[%get3A_274, %get3A_275] {strides = array<i32>} : memref<2x768xf32, #tpu.memory_space<vmem>>, vector<1x16xf32>,
    %get3A_277 = vector.shape_cast %get3A_276 : vector<1x16xf32> to vector<16xf32>
    %get3A_278 = arith.constant 0 : i32
    %get3A_279 = arith.index_cast %get3A_278 : i32 to index
    %get3A_280 = arith.constant 256 : index
    %get3A_281 = tpu.vector_load %arg6[%get3A_279, %get3A_280] {strides = array<i32>} : memref<2x768xf32, #tpu.memory_space<vmem>>, vector<1x16xf32>,
    %get3A_282 = vector.shape_cast %get3A_281 : vector<1x16xf32> to vector<16xf32>
    %sub3A_283 = arith.subf %get3A_277, %get3A_282 : vector<16xf32>
    %swap3A_284 = arith.constant 256 : index
    %swap3A_285 = tpu.vector_load %arg7[%swap3A_284] {strides = array<i32>} : memref<768xf32, #tpu.memory_space<vmem>>, vector<16xf32>,
    %swap3A_286 = vector.shape_cast %swap3A_285 : vector<16xf32> to vector<16xf32>
    %swap3A_287 = vector.shape_cast %sub3A_283 : vector<16xf32> to vector<16xf32>
    tpu.vector_store %arg7[%swap3A_284], %swap3A_287 {strides = array<i32>} : memref<768xf32, #tpu.memory_space<vmem>>, vector<16xf32>,
    %get3A_288 = arith.constant 1 : i32
    %get3A_289 = arith.index_cast %get3A_288 : i32 to index
    %get3A_290 = arith.constant 272 : index
    %get3A_291 = tpu.vector_load %arg6[%get3A_289, %get3A_290] {strides = array<i32>} : memref<2x768xf32, #tpu.memory_space<vmem>>, vector<1x16xf32>,
    %get3A_292 = vector.shape_cast %get3A_291 : vector<1x16xf32> to vector<16xf32>
    %get3A_293 = arith.constant 0 : i32
    %get3A_294 = arith.index_cast %get3A_293 : i32 to index
    %get3A_295 = arith.constant 272 : index
    %get3A_296 = tpu.vector_load %arg6[%get3A_294, %get3A_295] {strides = array<i32>} : memref<2x768xf32, #tpu.memory_space<vmem>>, vector<1x16xf32>,
    %get3A_297 = vector.shape_cast %get3A_296 : vector<1x16xf32> to vector<16xf32>
    %sub3A_298 = arith.subf %get3A_292, %get3A_297 : vector<16xf32>
    %swap3A_299 = arith.constant 272 : index
    %swap3A_300 = tpu.vector_load %arg7[%swap3A_299] {strides = array<i32>} : memref<768xf32, #tpu.memory_space<vmem>>, vector<16xf32>,
    %swap3A_301 = vector.shape_cast %swap3A_300 : vector<16xf32> to vector<16xf32>
    %swap3A_302 = vector.shape_cast %sub3A_298 : vector<16xf32> to vector<16xf32>
    tpu.vector_store %arg7[%swap3A_299], %swap3A_302 {strides = array<i32>} : memref<768xf32, #tpu.memory_space<vmem>>, vector<16xf32>,
    %get3A_303 = arith.constant 1 : i32
    %get3A_304 = arith.index_cast %get3A_303 : i32 to index
    %get3A_305 = arith.constant 288 : index
    %get3A_306 = tpu.vector_load %arg6[%get3A_304, %get3A_305] {strides = array<i32>} : memref<2x768xf32, #tpu.memory_space<vmem>>, vector<1x16xf32>,
    %get3A_307 = vector.shape_cast %get3A_306 : vector<1x16xf32> to vector<16xf32>
    %get3A_308 = arith.constant 0 : i32
    %get3A_309 = arith.index_cast %get3A_308 : i32 to index
    %get3A_310 = arith.constant 288 : index
    %get3A_311 = tpu.vector_load %arg6[%get3A_309, %get3A_310] {strides = array<i32>} : memref<2x768xf32, #tpu.memory_space<vmem>>, vector<1x16xf32>,
    %get3A_312 = vector.shape_cast %get3A_311 : vector<1x16xf32> to vector<16xf32>
    %sub3A_313 = arith.subf %get3A_307, %get3A_312 : vector<16xf32>
    %swap3A_314 = arith.constant 288 : index
    %swap3A_315 = tpu.vector_load %arg7[%swap3A_314] {strides = array<i32>} : memref<768xf32, #tpu.memory_space<vmem>>, vector<16xf32>,
    %swap3A_316 = vector.shape_cast %swap3A_315 : vector<16xf32> to vector<16xf32>
    %swap3A_317 = vector.shape_cast %sub3A_313 : vector<16xf32> to vector<16xf32>
    tpu.vector_store %arg7[%swap3A_314], %swap3A_317 {strides = array<i32>} : memref<768xf32, #tpu.memory_space<vmem>>, vector<16xf32>,
    %get3A_318 = arith.constant 1 : i32
    %get3A_319 = arith.index_cast %get3A_318 : i32 to index
    %get3A_320 = arith.constant 304 : index
    %get3A_321 = tpu.vector_load %arg6[%get3A_319, %get3A_320] {strides = array<i32>} : memref<2x768xf32, #tpu.memory_space<vmem>>, vector<1x16xf32>,
    %get3A_322 = vector.shape_cast %get3A_321 : vector<1x16xf32> to vector<16xf32>
    %get3A_323 = arith.constant 0 : i32
    %get3A_324 = arith.index_cast %get3A_323 : i32 to index
    %get3A_325 = arith.constant 304 : index
    %get3A_326 = tpu.vector_load %arg6[%get3A_324, %get3A_325] {strides = array<i32>} : memref<2x768xf32, #tpu.memory_space<vmem>>, vector<1x16xf32>,
    %get3A_327 = vector.shape_cast %get3A_326 : vector<1x16xf32> to vector<16xf32>
    %sub3A_328 = arith.subf %get3A_322, %get3A_327 : vector<16xf32>
    %swap3A_329 = arith.constant 304 : index
    %swap3A_330 = tpu.vector_load %arg7[%swap3A_329] {strides = array<i32>} : memref<768xf32, #tpu.memory_space<vmem>>, vector<16xf32>,
    %swap3A_331 = vector.shape_cast %swap3A_330 : vector<16xf32> to vector<16xf32>
    %swap3A_332 = vector.shape_cast %sub3A_328 : vector<16xf32> to vector<16xf32>
    tpu.vector_store %arg7[%swap3A_329], %swap3A_332 {strides = array<i32>} : memref<768xf32, #tpu.memory_space<vmem>>, vector<16xf32>,
    %get3A_333 = arith.constant 1 : i32
    %get3A_334 = arith.index_cast %get3A_333 : i32 to index
    %get3A_335 = arith.constant 320 : index
    %get3A_336 = tpu.vector_load %arg6[%get3A_334, %get3A_335] {strides = array<i32>} : memref<2x768xf32, #tpu.memory_space<vmem>>, vector<1x16xf32>,
    %get3A_337 = vector.shape_cast %get3A_336 : vector<1x16xf32> to vector<16xf32>
    %get3A_338 = arith.constant 0 : i32
    %get3A_339 = arith.index_cast %get3A_338 : i32 to index
    %get3A_340 = arith.constant 320 : index
    %get3A_341 = tpu.vector_load %arg6[%get3A_339, %get3A_340] {strides = array<i32>} : memref<2x768xf32, #tpu.memory_space<vmem>>, vector<1x16xf32>,
    %get3A_342 = vector.shape_cast %get3A_341 : vector<1x16xf32> to vector<16xf32>
    %sub3A_343 = arith.subf %get3A_337, %get3A_342 : vector<16xf32>
    %swap3A_344 = arith.constant 320 : index
    %swap3A_345 = tpu.vector_load %arg7[%swap3A_344] {strides = array<i32>} : memref<768xf32, #tpu.memory_space<vmem>>, vector<16xf32>,
    %swap3A_346 = vector.shape_cast %swap3A_345 : vector<16xf32> to vector<16xf32>
    %swap3A_347 = vector.shape_cast %sub3A_343 : vector<16xf32> to vector<16xf32>
    tpu.vector_store %arg7[%swap3A_344], %swap3A_347 {strides = array<i32>} : memref<768xf32, #tpu.memory_space<vmem>>, vector<16xf32>,
    %get3A_348 = arith.constant 1 : i32
    %get3A_349 = arith.index_cast %get3A_348 : i32 to index
    %get3A_350 = arith.constant 336 : index
    %get3A_351 = tpu.vector_load %arg6[%get3A_349, %get3A_350] {strides = array<i32>} : memref<2x768xf32, #tpu.memory_space<vmem>>, vector<1x16xf32>,
    %get3A_352 = vector.shape_cast %get3A_351 : vector<1x16xf32> to vector<16xf32>
    %get3A_353 = arith.constant 0 : i32
    %get3A_354 = arith.index_cast %get3A_353 : i32 to index
    %get3A_355 = arith.constant 336 : index
    %get3A_356 = tpu.vector_load %arg6[%get3A_354, %get3A_355] {strides = array<i32>} : memref<2x768xf32, #tpu.memory_space<vmem>>, vector<1x16xf32>,
    %get3A_357 = vector.shape_cast %get3A_356 : vector<1x16xf32> to vector<16xf32>
    %sub3A_358 = arith.subf %get3A_352, %get3A_357 : vector<16xf32>
    %swap3A_359 = arith.constant 336 : index
    %swap3A_360 = tpu.vector_load %arg7[%swap3A_359] {strides = array<i32>} : memref<768xf32, #tpu.memory_space<vmem>>, vector<16xf32>,
    %swap3A_361 = vector.shape_cast %swap3A_360 : vector<16xf32> to vector<16xf32>
    %swap3A_362 = vector.shape_cast %sub3A_358 : vector<16xf32> to vector<16xf32>
    tpu.vector_store %arg7[%swap3A_359], %swap3A_362 {strides = array<i32>} : memref<768xf32, #tpu.memory_space<vmem>>, vector<16xf32>,
    %get3A_363 = arith.constant 1 : i32
    %get3A_364 = arith.index_cast %get3A_363 : i32 to index
    %get3A_365 = arith.constant 352 : index
    %get3A_366 = tpu.vector_load %arg6[%get3A_364, %get3A_365] {strides = array<i32>} : memref<2x768xf32, #tpu.memory_space<vmem>>, vector<1x16xf32>,
    %get3A_367 = vector.shape_cast %get3A_366 : vector<1x16xf32> to vector<16xf32>
    %get3A_368 = arith.constant 0 : i32
    %get3A_369 = arith.index_cast %get3A_368 : i32 to index
    %get3A_370 = arith.constant 352 : index
    %get3A_371 = tpu.vector_load %arg6[%get3A_369, %get3A_370] {strides = array<i32>} : memref<2x768xf32, #tpu.memory_space<vmem>>, vector<1x16xf32>,
    %get3A_372 = vector.shape_cast %get3A_371 : vector<1x16xf32> to vector<16xf32>
    %sub3A_373 = arith.subf %get3A_367, %get3A_372 : vector<16xf32>
    %swap3A_374 = arith.constant 352 : index
    %swap3A_375 = tpu.vector_load %arg7[%swap3A_374] {strides = array<i32>} : memref<768xf32, #tpu.memory_space<vmem>>, vector<16xf32>,
    %swap3A_376 = vector.shape_cast %swap3A_375 : vector<16xf32> to vector<16xf32>
    %swap3A_377 = vector.shape_cast %sub3A_373 : vector<16xf32> to vector<16xf32>
    tpu.vector_store %arg7[%swap3A_374], %swap3A_377 {strides = array<i32>} : memref<768xf32, #tpu.memory_space<vmem>>, vector<16xf32>,
    %get3A_378 = arith.constant 1 : i32
    %get3A_379 = arith.index_cast %get3A_378 : i32 to index
    %get3A_380 = arith.constant 368 : index
    %get3A_381 = tpu.vector_load %arg6[%get3A_379, %get3A_380] {strides = array<i32>} : memref<2x768xf32, #tpu.memory_space<vmem>>, vector<1x16xf32>,
    %get3A_382 = vector.shape_cast %get3A_381 : vector<1x16xf32> to vector<16xf32>
    %get3A_383 = arith.constant 0 : i32
    %get3A_384 = arith.index_cast %get3A_383 : i32 to index
    %get3A_385 = arith.constant 368 : index
    %get3A_386 = tpu.vector_load %arg6[%get3A_384, %get3A_385] {strides = array<i32>} : memref<2x768xf32, #tpu.memory_space<vmem>>, vector<1x16xf32>,
    %get3A_387 = vector.shape_cast %get3A_386 : vector<1x16xf32> to vector<16xf32>
    %sub3A_388 = arith.subf %get3A_382, %get3A_387 : vector<16xf32>
    %swap3A_389 = arith.constant 368 : index
    %swap3A_390 = tpu.vector_load %arg7[%swap3A_389] {strides = array<i32>} : memref<768xf32, #tpu.memory_space<vmem>>, vector<16xf32>,
    %swap3A_391 = vector.shape_cast %swap3A_390 : vector<16xf32> to vector<16xf32>
    %swap3A_392 = vector.shape_cast %sub3A_388 : vector<16xf32> to vector<16xf32>
    tpu.vector_store %arg7[%swap3A_389], %swap3A_392 {strides = array<i32>} : memref<768xf32, #tpu.memory_space<vmem>>, vector<16xf32>,
    %get3A_393 = arith.constant 1 : i32
    %get3A_394 = arith.index_cast %get3A_393 : i32 to index
    %get3A_395 = arith.constant 384 : index
    %get3A_396 = tpu.vector_load %arg6[%get3A_394, %get3A_395] {strides = array<i32>} : memref<2x768xf32, #tpu.memory_space<vmem>>, vector<1x16xf32>,
    %get3A_397 = vector.shape_cast %get3A_396 : vector<1x16xf32> to vector<16xf32>
    %get3A_398 = arith.constant 0 : i32
    %get3A_399 = arith.index_cast %get3A_398 : i32 to index
    %get3A_400 = arith.constant 384 : index
    %get3A_401 = tpu.vector_load %arg6[%get3A_399, %get3A_400] {strides = array<i32>} : memref<2x768xf32, #tpu.memory_space<vmem>>, vector<1x16xf32>,
    %get3A_402 = vector.shape_cast %get3A_401 : vector<1x16xf32> to vector<16xf32>
    %sub3A_403 = arith.subf %get3A_397, %get3A_402 : vector<16xf32>
    %swap3A_404 = arith.constant 384 : index
    %swap3A_405 = tpu.vector_load %arg7[%swap3A_404] {strides = array<i32>} : memref<768xf32, #tpu.memory_space<vmem>>, vector<16xf32>,
    %swap3A_406 = vector.shape_cast %swap3A_405 : vector<16xf32> to vector<16xf32>
    %swap3A_407 = vector.shape_cast %sub3A_403 : vector<16xf32> to vector<16xf32>
    tpu.vector_store %arg7[%swap3A_404], %swap3A_407 {strides = array<i32>} : memref<768xf32, #tpu.memory_space<vmem>>, vector<16xf32>,
    %get3A_408 = arith.constant 1 : i32
    %get3A_409 = arith.index_cast %get3A_408 : i32 to index
    %get3A_410 = arith.constant 400 : index
    %get3A_411 = tpu.vector_load %arg6[%get3A_409, %get3A_410] {strides = array<i32>} : memref<2x768xf32, #tpu.memory_space<vmem>>, vector<1x16xf32>,
    %get3A_412 = vector.shape_cast %get3A_411 : vector<1x16xf32> to vector<16xf32>
    %get3A_413 = arith.constant 0 : i32
    %get3A_414 = arith.index_cast %get3A_413 : i32 to index
    %get3A_415 = arith.constant 400 : index
    %get3A_416 = tpu.vector_load %arg6[%get3A_414, %get3A_415] {strides = array<i32>} : memref<2x768xf32, #tpu.memory_space<vmem>>, vector<1x16xf32>,
    %get3A_417 = vector.shape_cast %get3A_416 : vector<1x16xf32> to vector<16xf32>
    %sub3A_418 = arith.subf %get3A_412, %get3A_417 : vector<16xf32>
    %swap3A_419 = arith.constant 400 : index
    %swap3A_420 = tpu.vector_load %arg7[%swap3A_419] {strides = array<i32>} : memref<768xf32, #tpu.memory_space<vmem>>, vector<16xf32>,
    %swap3A_421 = vector.shape_cast %swap3A_420 : vector<16xf32> to vector<16xf32>
    %swap3A_422 = vector.shape_cast %sub3A_418 : vector<16xf32> to vector<16xf32>
    tpu.vector_store %arg7[%swap3A_419], %swap3A_422 {strides = array<i32>} : memref<768xf32, #tpu.memory_space<vmem>>, vector<16xf32>,
    %get3A_423 = arith.constant 1 : i32
    %get3A_424 = arith.index_cast %get3A_423 : i32 to index
    %get3A_425 = arith.constant 416 : index
    %get3A_426 = tpu.vector_load %arg6[%get3A_424, %get3A_425] {strides = array<i32>} : memref<2x768xf32, #tpu.memory_space<vmem>>, vector<1x16xf32>,
    %get3A_427 = vector.shape_cast %get3A_426 : vector<1x16xf32> to vector<16xf32>
    %get3A_428 = arith.constant 0 : i32
    %get3A_429 = arith.index_cast %get3A_428 : i32 to index
    %get3A_430 = arith.constant 416 : index
    %get3A_431 = tpu.vector_load %arg6[%get3A_429, %get3A_430] {strides = array<i32>} : memref<2x768xf32, #tpu.memory_space<vmem>>, vector<1x16xf32>,
    %get3A_432 = vector.shape_cast %get3A_431 : vector<1x16xf32> to vector<16xf32>
    %sub3A_433 = arith.subf %get3A_427, %get3A_432 : vector<16xf32>
    %swap3A_434 = arith.constant 416 : index
    %swap3A_435 = tpu.vector_load %arg7[%swap3A_434] {strides = array<i32>} : memref<768xf32, #tpu.memory_space<vmem>>, vector<16xf32>,
    %swap3A_436 = vector.shape_cast %swap3A_435 : vector<16xf32> to vector<16xf32>
    %swap3A_437 = vector.shape_cast %sub3A_433 : vector<16xf32> to vector<16xf32>
    tpu.vector_store %arg7[%swap3A_434], %swap3A_437 {strides = array<i32>} : memref<768xf32, #tpu.memory_space<vmem>>, vector<16xf32>,
    %get3A_438 = arith.constant 1 : i32
    %get3A_439 = arith.index_cast %get3A_438 : i32 to index
    %get3A_440 = arith.constant 432 : index
    %get3A_441 = tpu.vector_load %arg6[%get3A_439, %get3A_440] {strides = array<i32>} : memref<2x768xf32, #tpu.memory_space<vmem>>, vector<1x16xf32>,
    %get3A_442 = vector.shape_cast %get3A_441 : vector<1x16xf32> to vector<16xf32>
    %get3A_443 = arith.constant 0 : i32
    %get3A_444 = arith.index_cast %get3A_443 : i32 to index
    %get3A_445 = arith.constant 432 : index
    %get3A_446 = tpu.vector_load %arg6[%get3A_444, %get3A_445] {strides = array<i32>} : memref<2x768xf32, #tpu.memory_space<vmem>>, vector<1x16xf32>,
    %get3A_447 = vector.shape_cast %get3A_446 : vector<1x16xf32> to vector<16xf32>
    %sub3A_448 = arith.subf %get3A_442, %get3A_447 : vector<16xf32>
    %swap3A_449 = arith.constant 432 : index
    %swap3A_450 = tpu.vector_load %arg7[%swap3A_449] {strides = array<i32>} : memref<768xf32, #tpu.memory_space<vmem>>, vector<16xf32>,
    %swap3A_451 = vector.shape_cast %swap3A_450 : vector<16xf32> to vector<16xf32>
    %swap3A_452 = vector.shape_cast %sub3A_448 : vector<16xf32> to vector<16xf32>
    tpu.vector_store %arg7[%swap3A_449], %swap3A_452 {strides = array<i32>} : memref<768xf32, #tpu.memory_space<vmem>>, vector<16xf32>,
    %get3A_453 = arith.constant 1 : i32
    %get3A_454 = arith.index_cast %get3A_453 : i32 to index
    %get3A_455 = arith.constant 448 : index
    %get3A_456 = tpu.vector_load %arg6[%get3A_454, %get3A_455] {strides = array<i32>} : memref<2x768xf32, #tpu.memory_space<vmem>>, vector<1x16xf32>,
    %get3A_457 = vector.shape_cast %get3A_456 : vector<1x16xf32> to vector<16xf32>
    %get3A_458 = arith.constant 0 : i32
    %get3A_459 = arith.index_cast %get3A_458 : i32 to index
    %get3A_460 = arith.constant 448 : index
    %get3A_461 = tpu.vector_load %arg6[%get3A_459, %get3A_460] {strides = array<i32>} : memref<2x768xf32, #tpu.memory_space<vmem>>, vector<1x16xf32>,
    %get3A_462 = vector.shape_cast %get3A_461 : vector<1x16xf32> to vector<16xf32>
    %sub3A_463 = arith.subf %get3A_457, %get3A_462 : vector<16xf32>
    %swap3A_464 = arith.constant 448 : index
    %swap3A_465 = tpu.vector_load %arg7[%swap3A_464] {strides = array<i32>} : memref<768xf32, #tpu.memory_space<vmem>>, vector<16xf32>,
    %swap3A_466 = vector.shape_cast %swap3A_465 : vector<16xf32> to vector<16xf32>
    %swap3A_467 = vector.shape_cast %sub3A_463 : vector<16xf32> to vector<16xf32>
    tpu.vector_store %arg7[%swap3A_464], %swap3A_467 {strides = array<i32>} : memref<768xf32, #tpu.memory_space<vmem>>, vector<16xf32>,
    %get3A_468 = arith.constant 1 : i32
    %get3A_469 = arith.index_cast %get3A_468 : i32 to index
    %get3A_470 = arith.constant 464 : index
    %get3A_471 = tpu.vector_load %arg6[%get3A_469, %get3A_470] {strides = array<i32>} : memref<2x768xf32, #tpu.memory_space<vmem>>, vector<1x16xf32>,
    %get3A_472 = vector.shape_cast %get3A_471 : vector<1x16xf32> to vector<16xf32>
    %get3A_473 = arith.constant 0 : i32
    %get3A_474 = arith.index_cast %get3A_473 : i32 to index
    %get3A_475 = arith.constant 464 : index
    %get3A_476 = tpu.vector_load %arg6[%get3A_474, %get3A_475] {strides = array<i32>} : memref<2x768xf32, #tpu.memory_space<vmem>>, vector<1x16xf32>,
    %get3A_477 = vector.shape_cast %get3A_476 : vector<1x16xf32> to vector<16xf32>
    %sub3A_478 = arith.subf %get3A_472, %get3A_477 : vector<16xf32>
    %swap3A_479 = arith.constant 464 : index
    %swap3A_480 = tpu.vector_load %arg7[%swap3A_479] {strides = array<i32>} : memref<768xf32, #tpu.memory_space<vmem>>, vector<16xf32>,
    %swap3A_481 = vector.shape_cast %swap3A_480 : vector<16xf32> to vector<16xf32>
    %swap3A_482 = vector.shape_cast %sub3A_478 : vector<16xf32> to vector<16xf32>
    tpu.vector_store %arg7[%swap3A_479], %swap3A_482 {strides = array<i32>} : memref<768xf32, #tpu.memory_space<vmem>>, vector<16xf32>,
    %get3A_483 = arith.constant 1 : i32
    %get3A_484 = arith.index_cast %get3A_483 : i32 to index
    %get3A_485 = arith.constant 480 : index
    %get3A_486 = tpu.vector_load %arg6[%get3A_484, %get3A_485] {strides = array<i32>} : memref<2x768xf32, #tpu.memory_space<vmem>>, vector<1x16xf32>,
    %get3A_487 = vector.shape_cast %get3A_486 : vector<1x16xf32> to vector<16xf32>
    %get3A_488 = arith.constant 0 : i32
    %get3A_489 = arith.index_cast %get3A_488 : i32 to index
    %get3A_490 = arith.constant 480 : index
    %get3A_491 = tpu.vector_load %arg6[%get3A_489, %get3A_490] {strides = array<i32>} : memref<2x768xf32, #tpu.memory_space<vmem>>, vector<1x16xf32>,
    %get3A_492 = vector.shape_cast %get3A_491 : vector<1x16xf32> to vector<16xf32>
    %sub3A_493 = arith.subf %get3A_487, %get3A_492 : vector<16xf32>
    %swap3A_494 = arith.constant 480 : index
    %swap3A_495 = tpu.vector_load %arg7[%swap3A_494] {strides = array<i32>} : memref<768xf32, #tpu.memory_space<vmem>>, vector<16xf32>,
    %swap3A_496 = vector.shape_cast %swap3A_495 : vector<16xf32> to vector<16xf32>
    %swap3A_497 = vector.shape_cast %sub3A_493 : vector<16xf32> to vector<16xf32>
    tpu.vector_store %arg7[%swap3A_494], %swap3A_497 {strides = array<i32>} : memref<768xf32, #tpu.memory_space<vmem>>, vector<16xf32>,
    %get3A_498 = arith.constant 1 : i32
    %get3A_499 = arith.index_cast %get3A_498 : i32 to index
    %get3A_500 = arith.constant 496 : index
    %get3A_501 = tpu.vector_load %arg6[%get3A_499, %get3A_500] {strides = array<i32>} : memref<2x768xf32, #tpu.memory_space<vmem>>, vector<1x16xf32>,
    %get3A_502 = vector.shape_cast %get3A_501 : vector<1x16xf32> to vector<16xf32>
    %get3A_503 = arith.constant 0 : i32
    %get3A_504 = arith.index_cast %get3A_503 : i32 to index
    %get3A_505 = arith.constant 496 : index
    %get3A_506 = tpu.vector_load %arg6[%get3A_504, %get3A_505] {strides = array<i32>} : memref<2x768xf32, #tpu.memory_space<vmem>>, vector<1x16xf32>,
    %get3A_507 = vector.shape_cast %get3A_506 : vector<1x16xf32> to vector<16xf32>
    %sub3A_508 = arith.subf %get3A_502, %get3A_507 : vector<16xf32>
    %swap3A_509 = arith.constant 496 : index
    %swap3A_510 = tpu.vector_load %arg7[%swap3A_509] {strides = array<i32>} : memref<768xf32, #tpu.memory_space<vmem>>, vector<16xf32>,
    %swap3A_511 = vector.shape_cast %swap3A_510 : vector<16xf32> to vector<16xf32>
    %swap3A_512 = vector.shape_cast %sub3A_508 : vector<16xf32> to vector<16xf32>
    tpu.vector_store %arg7[%swap3A_509], %swap3A_512 {strides = array<i32>} : memref<768xf32, #tpu.memory_space<vmem>>, vector<16xf32>,
    %get3A_513 = arith.constant 1 : i32
    %get3A_514 = arith.index_cast %get3A_513 : i32 to index
    %get3A_515 = arith.constant 512 : index
    %get3A_516 = tpu.vector_load %arg6[%get3A_514, %get3A_515] {strides = array<i32>} : memref<2x768xf32, #tpu.memory_space<vmem>>, vector<1x16xf32>,
    %get3A_517 = vector.shape_cast %get3A_516 : vector<1x16xf32> to vector<16xf32>
    %get3A_518 = arith.constant 0 : i32
    %get3A_519 = arith.index_cast %get3A_518 : i32 to index
    %get3A_520 = arith.constant 512 : index
    %get3A_521 = tpu.vector_load %arg6[%get3A_519, %get3A_520] {strides = array<i32>} : memref<2x768xf32, #tpu.memory_space<vmem>>, vector<1x16xf32>,
    %get3A_522 = vector.shape_cast %get3A_521 : vector<1x16xf32> to vector<16xf32>
    %sub3A_523 = arith.subf %get3A_517, %get3A_522 : vector<16xf32>
    %swap3A_524 = arith.constant 512 : index
    %swap3A_525 = tpu.vector_load %arg7[%swap3A_524] {strides = array<i32>} : memref<768xf32, #tpu.memory_space<vmem>>, vector<16xf32>,
    %swap3A_526 = vector.shape_cast %swap3A_525 : vector<16xf32> to vector<16xf32>
    %swap3A_527 = vector.shape_cast %sub3A_523 : vector<16xf32> to vector<16xf32>
    tpu.vector_store %arg7[%swap3A_524], %swap3A_527 {strides = array<i32>} : memref<768xf32, #tpu.memory_space<vmem>>, vector<16xf32>,
    %get3A_528 = arith.constant 1 : i32
    %get3A_529 = arith.index_cast %get3A_528 : i32 to index
    %get3A_530 = arith.constant 528 : index
    %get3A_531 = tpu.vector_load %arg6[%get3A_529, %get3A_530] {strides = array<i32>} : memref<2x768xf32, #tpu.memory_space<vmem>>, vector<1x16xf32>,
    %get3A_532 = vector.shape_cast %get3A_531 : vector<1x16xf32> to vector<16xf32>
    %get3A_533 = arith.constant 0 : i32
    %get3A_534 = arith.index_cast %get3A_533 : i32 to index
    %get3A_535 = arith.constant 528 : index
    %get3A_536 = tpu.vector_load %arg6[%get3A_534, %get3A_535] {strides = array<i32>} : memref<2x768xf32, #tpu.memory_space<vmem>>, vector<1x16xf32>,
    %get3A_537 = vector.shape_cast %get3A_536 : vector<1x16xf32> to vector<16xf32>
    %sub3A_538 = arith.subf %get3A_532, %get3A_537 : vector<16xf32>
    %swap3A_539 = arith.constant 528 : index
    %swap3A_540 = tpu.vector_load %arg7[%swap3A_539] {strides = array<i32>} : memref<768xf32, #tpu.memory_space<vmem>>, vector<16xf32>,
    %swap3A_541 = vector.shape_cast %swap3A_540 : vector<16xf32> to vector<16xf32>
    %swap3A_542 = vector.shape_cast %sub3A_538 : vector<16xf32> to vector<16xf32>
    tpu.vector_store %arg7[%swap3A_539], %swap3A_542 {strides = array<i32>} : memref<768xf32, #tpu.memory_space<vmem>>, vector<16xf32>,
    %get3A_543 = arith.constant 1 : i32
    %get3A_544 = arith.index_cast %get3A_543 : i32 to index
    %get3A_545 = arith.constant 544 : index
    %get3A_546 = tpu.vector_load %arg6[%get3A_544, %get3A_545] {strides = array<i32>} : memref<2x768xf32, #tpu.memory_space<vmem>>, vector<1x16xf32>,
    %get3A_547 = vector.shape_cast %get3A_546 : vector<1x16xf32> to vector<16xf32>
    %get3A_548 = arith.constant 0 : i32
    %get3A_549 = arith.index_cast %get3A_548 : i32 to index
    %get3A_550 = arith.constant 544 : index
    %get3A_551 = tpu.vector_load %arg6[%get3A_549, %get3A_550] {strides = array<i32>} : memref<2x768xf32, #tpu.memory_space<vmem>>, vector<1x16xf32>,
    %get3A_552 = vector.shape_cast %get3A_551 : vector<1x16xf32> to vector<16xf32>
    %sub3A_553 = arith.subf %get3A_547, %get3A_552 : vector<16xf32>
    %swap3A_554 = arith.constant 544 : index
    %swap3A_555 = tpu.vector_load %arg7[%swap3A_554] {strides = array<i32>} : memref<768xf32, #tpu.memory_space<vmem>>, vector<16xf32>,
    %swap3A_556 = vector.shape_cast %swap3A_555 : vector<16xf32> to vector<16xf32>
    %swap3A_557 = vector.shape_cast %sub3A_553 : vector<16xf32> to vector<16xf32>
    tpu.vector_store %arg7[%swap3A_554], %swap3A_557 {strides = array<i32>} : memref<768xf32, #tpu.memory_space<vmem>>, vector<16xf32>,
    %get3A_558 = arith.constant 1 : i32
    %get3A_559 = arith.index_cast %get3A_558 : i32 to index
    %get3A_560 = arith.constant 560 : index
    %get3A_561 = tpu.vector_load %arg6[%get3A_559, %get3A_560] {strides = array<i32>} : memref<2x768xf32, #tpu.memory_space<vmem>>, vector<1x16xf32>,
    %get3A_562 = vector.shape_cast %get3A_561 : vector<1x16xf32> to vector<16xf32>
    %get3A_563 = arith.constant 0 : i32
    %get3A_564 = arith.index_cast %get3A_563 : i32 to index
    %get3A_565 = arith.constant 560 : index
    %get3A_566 = tpu.vector_load %arg6[%get3A_564, %get3A_565] {strides = array<i32>} : memref<2x768xf32, #tpu.memory_space<vmem>>, vector<1x16xf32>,
    %get3A_567 = vector.shape_cast %get3A_566 : vector<1x16xf32> to vector<16xf32>
    %sub3A_568 = arith.subf %get3A_562, %get3A_567 : vector<16xf32>
    %swap3A_569 = arith.constant 560 : index
    %swap3A_570 = tpu.vector_load %arg7[%swap3A_569] {strides = array<i32>} : memref<768xf32, #tpu.memory_space<vmem>>, vector<16xf32>,
    %swap3A_571 = vector.shape_cast %swap3A_570 : vector<16xf32> to vector<16xf32>
    %swap3A_572 = vector.shape_cast %sub3A_568 : vector<16xf32> to vector<16xf32>
    tpu.vector_store %arg7[%swap3A_569], %swap3A_572 {strides = array<i32>} : memref<768xf32, #tpu.memory_space<vmem>>, vector<16xf32>,
    %get3A_573 = arith.constant 1 : i32
    %get3A_574 = arith.index_cast %get3A_573 : i32 to index
    %get3A_575 = arith.constant 576 : index
    %get3A_576 = tpu.vector_load %arg6[%get3A_574, %get3A_575] {strides = array<i32>} : memref<2x768xf32, #tpu.memory_space<vmem>>, vector<1x16xf32>,
    %get3A_577 = vector.shape_cast %get3A_576 : vector<1x16xf32> to vector<16xf32>
    %get3A_578 = arith.constant 0 : i32
    %get3A_579 = arith.index_cast %get3A_578 : i32 to index
    %get3A_580 = arith.constant 576 : index
    %get3A_581 = tpu.vector_load %arg6[%get3A_579, %get3A_580] {strides = array<i32>} : memref<2x768xf32, #tpu.memory_space<vmem>>, vector<1x16xf32>,
    %get3A_582 = vector.shape_cast %get3A_581 : vector<1x16xf32> to vector<16xf32>
    %sub3A_583 = arith.subf %get3A_577, %get3A_582 : vector<16xf32>
    %swap3A_584 = arith.constant 576 : index
    %swap3A_585 = tpu.vector_load %arg7[%swap3A_584] {strides = array<i32>} : memref<768xf32, #tpu.memory_space<vmem>>, vector<16xf32>,
    %swap3A_586 = vector.shape_cast %swap3A_585 : vector<16xf32> to vector<16xf32>
    %swap3A_587 = vector.shape_cast %sub3A_583 : vector<16xf32> to vector<16xf32>
    tpu.vector_store %arg7[%swap3A_584], %swap3A_587 {strides = array<i32>} : memref<768xf32, #tpu.memory_space<vmem>>, vector<16xf32>,
    %get3A_588 = arith.constant 1 : i32
    %get3A_589 = arith.index_cast %get3A_588 : i32 to index
    %get3A_590 = arith.constant 592 : index
    %get3A_591 = tpu.vector_load %arg6[%get3A_589, %get3A_590] {strides = array<i32>} : memref<2x768xf32, #tpu.memory_space<vmem>>, vector<1x16xf32>,
    %get3A_592 = vector.shape_cast %get3A_591 : vector<1x16xf32> to vector<16xf32>
    %get3A_593 = arith.constant 0 : i32
    %get3A_594 = arith.index_cast %get3A_593 : i32 to index
    %get3A_595 = arith.constant 592 : index
    %get3A_596 = tpu.vector_load %arg6[%get3A_594, %get3A_595] {strides = array<i32>} : memref<2x768xf32, #tpu.memory_space<vmem>>, vector<1x16xf32>,
    %get3A_597 = vector.shape_cast %get3A_596 : vector<1x16xf32> to vector<16xf32>
    %sub3A_598 = arith.subf %get3A_592, %get3A_597 : vector<16xf32>
    %swap3A_599 = arith.constant 592 : index
    %swap3A_600 = tpu.vector_load %arg7[%swap3A_599] {strides = array<i32>} : memref<768xf32, #tpu.memory_space<vmem>>, vector<16xf32>,
    %swap3A_601 = vector.shape_cast %swap3A_600 : vector<16xf32> to vector<16xf32>
    %swap3A_602 = vector.shape_cast %sub3A_598 : vector<16xf32> to vector<16xf32>
    tpu.vector_store %arg7[%swap3A_599], %swap3A_602 {strides = array<i32>} : memref<768xf32, #tpu.memory_space<vmem>>, vector<16xf32>,
    %get3A_603 = arith.constant 1 : i32
    %get3A_604 = arith.index_cast %get3A_603 : i32 to index
    %get3A_605 = arith.constant 608 : index
    %get3A_606 = tpu.vector_load %arg6[%get3A_604, %get3A_605] {strides = array<i32>} : memref<2x768xf32, #tpu.memory_space<vmem>>, vector<1x16xf32>,
    %get3A_607 = vector.shape_cast %get3A_606 : vector<1x16xf32> to vector<16xf32>
    %get3A_608 = arith.constant 0 : i32
    %get3A_609 = arith.index_cast %get3A_608 : i32 to index
    %get3A_610 = arith.constant 608 : index
    %get3A_611 = tpu.vector_load %arg6[%get3A_609, %get3A_610] {strides = array<i32>} : memref<2x768xf32, #tpu.memory_space<vmem>>, vector<1x16xf32>,
    %get3A_612 = vector.shape_cast %get3A_611 : vector<1x16xf32> to vector<16xf32>
    %sub3A_613 = arith.subf %get3A_607, %get3A_612 : vector<16xf32>
    %swap3A_614 = arith.constant 608 : index
    %swap3A_615 = tpu.vector_load %arg7[%swap3A_614] {strides = array<i32>} : memref<768xf32, #tpu.memory_space<vmem>>, vector<16xf32>,
    %swap3A_616 = vector.shape_cast %swap3A_615 : vector<16xf32> to vector<16xf32>
    %swap3A_617 = vector.shape_cast %sub3A_613 : vector<16xf32> to vector<16xf32>
    tpu.vector_store %arg7[%swap3A_614], %swap3A_617 {strides = array<i32>} : memref<768xf32, #tpu.memory_space<vmem>>, vector<16xf32>,
    %get3A_618 = arith.constant 1 : i32
    %get3A_619 = arith.index_cast %get3A_618 : i32 to index
    %get3A_620 = arith.constant 624 : index
    %get3A_621 = tpu.vector_load %arg6[%get3A_619, %get3A_620] {strides = array<i32>} : memref<2x768xf32, #tpu.memory_space<vmem>>, vector<1x16xf32>,
    %get3A_622 = vector.shape_cast %get3A_621 : vector<1x16xf32> to vector<16xf32>
    %get3A_623 = arith.constant 0 : i32
    %get3A_624 = arith.index_cast %get3A_623 : i32 to index
    %get3A_625 = arith.constant 624 : index
    %get3A_626 = tpu.vector_load %arg6[%get3A_624, %get3A_625] {strides = array<i32>} : memref<2x768xf32, #tpu.memory_space<vmem>>, vector<1x16xf32>,
    %get3A_627 = vector.shape_cast %get3A_626 : vector<1x16xf32> to vector<16xf32>
    %sub3A_628 = arith.subf %get3A_622, %get3A_627 : vector<16xf32>
    %swap3A_629 = arith.constant 624 : index
    %swap3A_630 = tpu.vector_load %arg7[%swap3A_629] {strides = array<i32>} : memref<768xf32, #tpu.memory_space<vmem>>, vector<16xf32>,
    %swap3A_631 = vector.shape_cast %swap3A_630 : vector<16xf32> to vector<16xf32>
    %swap3A_632 = vector.shape_cast %sub3A_628 : vector<16xf32> to vector<16xf32>
    tpu.vector_store %arg7[%swap3A_629], %swap3A_632 {strides = array<i32>} : memref<768xf32, #tpu.memory_space<vmem>>, vector<16xf32>,
    %get3A_633 = arith.constant 1 : i32
    %get3A_634 = arith.index_cast %get3A_633 : i32 to index
    %get3A_635 = arith.constant 640 : index
    %get3A_636 = tpu.vector_load %arg6[%get3A_634, %get3A_635] {strides = array<i32>} : memref<2x768xf32, #tpu.memory_space<vmem>>, vector<1x16xf32>,
    %get3A_637 = vector.shape_cast %get3A_636 : vector<1x16xf32> to vector<16xf32>
    %get3A_638 = arith.constant 0 : i32
    %get3A_639 = arith.index_cast %get3A_638 : i32 to index
    %get3A_640 = arith.constant 640 : index
    %get3A_641 = tpu.vector_load %arg6[%get3A_639, %get3A_640] {strides = array<i32>} : memref<2x768xf32, #tpu.memory_space<vmem>>, vector<1x16xf32>,
    %get3A_642 = vector.shape_cast %get3A_641 : vector<1x16xf32> to vector<16xf32>
    %sub3A_643 = arith.subf %get3A_637, %get3A_642 : vector<16xf32>
    %swap3A_644 = arith.constant 640 : index
    %swap3A_645 = tpu.vector_load %arg7[%swap3A_644] {strides = array<i32>} : memref<768xf32, #tpu.memory_space<vmem>>, vector<16xf32>,
    %swap3A_646 = vector.shape_cast %swap3A_645 : vector<16xf32> to vector<16xf32>
    %swap3A_647 = vector.shape_cast %sub3A_643 : vector<16xf32> to vector<16xf32>
    tpu.vector_store %arg7[%swap3A_644], %swap3A_647 {strides = array<i32>} : memref<768xf32, #tpu.memory_space<vmem>>, vector<16xf32>,
    %get3A_648 = arith.constant 1 : i32
    %get3A_649 = arith.index_cast %get3A_648 : i32 to index
    %get3A_650 = arith.constant 656 : index
    %get3A_651 = tpu.vector_load %arg6[%get3A_649, %get3A_650] {strides = array<i32>} : memref<2x768xf32, #tpu.memory_space<vmem>>, vector<1x16xf32>,
    %get3A_652 = vector.shape_cast %get3A_651 : vector<1x16xf32> to vector<16xf32>
    %get3A_653 = arith.constant 0 : i32
    %get3A_654 = arith.index_cast %get3A_653 : i32 to index
    %get3A_655 = arith.constant 656 : index
    %get3A_656 = tpu.vector_load %arg6[%get3A_654, %get3A_655] {strides = array<i32>} : memref<2x768xf32, #tpu.memory_space<vmem>>, vector<1x16xf32>,
    %get3A_657 = vector.shape_cast %get3A_656 : vector<1x16xf32> to vector<16xf32>
    %sub3A_658 = arith.subf %get3A_652, %get3A_657 : vector<16xf32>
    %swap3A_659 = arith.constant 656 : index
    %swap3A_660 = tpu.vector_load %arg7[%swap3A_659] {strides = array<i32>} : memref<768xf32, #tpu.memory_space<vmem>>, vector<16xf32>,
    %swap3A_661 = vector.shape_cast %swap3A_660 : vector<16xf32> to vector<16xf32>
    %swap3A_662 = vector.shape_cast %sub3A_658 : vector<16xf32> to vector<16xf32>
    tpu.vector_store %arg7[%swap3A_659], %swap3A_662 {strides = array<i32>} : memref<768xf32, #tpu.memory_space<vmem>>, vector<16xf32>,
    %get3A_663 = arith.constant 1 : i32
    %get3A_664 = arith.index_cast %get3A_663 : i32 to index
    %get3A_665 = arith.constant 672 : index
    %get3A_666 = tpu.vector_load %arg6[%get3A_664, %get3A_665] {strides = array<i32>} : memref<2x768xf32, #tpu.memory_space<vmem>>, vector<1x16xf32>,
    %get3A_667 = vector.shape_cast %get3A_666 : vector<1x16xf32> to vector<16xf32>
    %get3A_668 = arith.constant 0 : i32
    %get3A_669 = arith.index_cast %get3A_668 : i32 to index
    %get3A_670 = arith.constant 672 : index
    %get3A_671 = tpu.vector_load %arg6[%get3A_669, %get3A_670] {strides = array<i32>} : memref<2x768xf32, #tpu.memory_space<vmem>>, vector<1x16xf32>,
    %get3A_672 = vector.shape_cast %get3A_671 : vector<1x16xf32> to vector<16xf32>
    %sub3A_673 = arith.subf %get3A_667, %get3A_672 : vector<16xf32>
    %swap3A_674 = arith.constant 672 : index
    %swap3A_675 = tpu.vector_load %arg7[%swap3A_674] {strides = array<i32>} : memref<768xf32, #tpu.memory_space<vmem>>, vector<16xf32>,
    %swap3A_676 = vector.shape_cast %swap3A_675 : vector<16xf32> to vector<16xf32>
    %swap3A_677 = vector.shape_cast %sub3A_673 : vector<16xf32> to vector<16xf32>
    tpu.vector_store %arg7[%swap3A_674], %swap3A_677 {strides = array<i32>} : memref<768xf32, #tpu.memory_space<vmem>>, vector<16xf32>,
    %get3A_678 = arith.constant 1 : i32
    %get3A_679 = arith.index_cast %get3A_678 : i32 to index
    %get3A_680 = arith.constant 688 : index
    %get3A_681 = tpu.vector_load %arg6[%get3A_679, %get3A_680] {strides = array<i32>} : memref<2x768xf32, #tpu.memory_space<vmem>>, vector<1x16xf32>,
    %get3A_682 = vector.shape_cast %get3A_681 : vector<1x16xf32> to vector<16xf32>
    %get3A_683 = arith.constant 0 : i32
    %get3A_684 = arith.index_cast %get3A_683 : i32 to index
    %get3A_685 = arith.constant 688 : index
    %get3A_686 = tpu.vector_load %arg6[%get3A_684, %get3A_685] {strides = array<i32>} : memref<2x768xf32, #tpu.memory_space<vmem>>, vector<1x16xf32>,
    %get3A_687 = vector.shape_cast %get3A_686 : vector<1x16xf32> to vector<16xf32>
    %sub3A_688 = arith.subf %get3A_682, %get3A_687 : vector<16xf32>
    %swap3A_689 = arith.constant 688 : index
    %swap3A_690 = tpu.vector_load %arg7[%swap3A_689] {strides = array<i32>} : memref<768xf32, #tpu.memory_space<vmem>>, vector<16xf32>,
    %swap3A_691 = vector.shape_cast %swap3A_690 : vector<16xf32> to vector<16xf32>
    %swap3A_692 = vector.shape_cast %sub3A_688 : vector<16xf32> to vector<16xf32>
    tpu.vector_store %arg7[%swap3A_689], %swap3A_692 {strides = array<i32>} : memref<768xf32, #tpu.memory_space<vmem>>, vector<16xf32>,
    %get3A_693 = arith.constant 1 : i32
    %get3A_694 = arith.index_cast %get3A_693 : i32 to index
    %get3A_695 = arith.constant 704 : index
    %get3A_696 = tpu.vector_load %arg6[%get3A_694, %get3A_695] {strides = array<i32>} : memref<2x768xf32, #tpu.memory_space<vmem>>, vector<1x16xf32>,
    %get3A_697 = vector.shape_cast %get3A_696 : vector<1x16xf32> to vector<16xf32>
    %get3A_698 = arith.constant 0 : i32
    %get3A_699 = arith.index_cast %get3A_698 : i32 to index
    %get3A_700 = arith.constant 704 : index
    %get3A_701 = tpu.vector_load %arg6[%get3A_699, %get3A_700] {strides = array<i32>} : memref<2x768xf32, #tpu.memory_space<vmem>>, vector<1x16xf32>,
    %get3A_702 = vector.shape_cast %get3A_701 : vector<1x16xf32> to vector<16xf32>
    %sub3A_703 = arith.subf %get3A_697, %get3A_702 : vector<16xf32>
    %swap3A_704 = arith.constant 704 : index
    %swap3A_705 = tpu.vector_load %arg7[%swap3A_704] {strides = array<i32>} : memref<768xf32, #tpu.memory_space<vmem>>, vector<16xf32>,
    %swap3A_706 = vector.shape_cast %swap3A_705 : vector<16xf32> to vector<16xf32>
    %swap3A_707 = vector.shape_cast %sub3A_703 : vector<16xf32> to vector<16xf32>
    tpu.vector_store %arg7[%swap3A_704], %swap3A_707 {strides = array<i32>} : memref<768xf32, #tpu.memory_space<vmem>>, vector<16xf32>,
    %get3A_708 = arith.constant 1 : i32
    %get3A_709 = arith.index_cast %get3A_708 : i32 to index
    %get3A_710 = arith.constant 720 : index
    %get3A_711 = tpu.vector_load %arg6[%get3A_709, %get3A_710] {strides = array<i32>} : memref<2x768xf32, #tpu.memory_space<vmem>>, vector<1x16xf32>,
    %get3A_712 = vector.shape_cast %get3A_711 : vector<1x16xf32> to vector<16xf32>
    %get3A_713 = arith.constant 0 : i32
    %get3A_714 = arith.index_cast %get3A_713 : i32 to index
    %get3A_715 = arith.constant 720 : index
    %get3A_716 = tpu.vector_load %arg6[%get3A_714, %get3A_715] {strides = array<i32>} : memref<2x768xf32, #tpu.memory_space<vmem>>, vector<1x16xf32>,
    %get3A_717 = vector.shape_cast %get3A_716 : vector<1x16xf32> to vector<16xf32>
    %sub3A_718 = arith.subf %get3A_712, %get3A_717 : vector<16xf32>
    %swap3A_719 = arith.constant 720 : index
    %swap3A_720 = tpu.vector_load %arg7[%swap3A_719] {strides = array<i32>} : memref<768xf32, #tpu.memory_space<vmem>>, vector<16xf32>,
    %swap3A_721 = vector.shape_cast %swap3A_720 : vector<16xf32> to vector<16xf32>
    %swap3A_722 = vector.shape_cast %sub3A_718 : vector<16xf32> to vector<16xf32>
    tpu.vector_store %arg7[%swap3A_719], %swap3A_722 {strides = array<i32>} : memref<768xf32, #tpu.memory_space<vmem>>, vector<16xf32>,
    %get3A_723 = arith.constant 1 : i32
    %get3A_724 = arith.index_cast %get3A_723 : i32 to index
    %get3A_725 = arith.constant 736 : index
    %get3A_726 = tpu.vector_load %arg6[%get3A_724, %get3A_725] {strides = array<i32>} : memref<2x768xf32, #tpu.memory_space<vmem>>, vector<1x16xf32>,
    %get3A_727 = vector.shape_cast %get3A_726 : vector<1x16xf32> to vector<16xf32>
    %get3A_728 = arith.constant 0 : i32
    %get3A_729 = arith.index_cast %get3A_728 : i32 to index
    %get3A_730 = arith.constant 736 : index
    %get3A_731 = tpu.vector_load %arg6[%get3A_729, %get3A_730] {strides = array<i32>} : memref<2x768xf32, #tpu.memory_space<vmem>>, vector<1x16xf32>,
    %get3A_732 = vector.shape_cast %get3A_731 : vector<1x16xf32> to vector<16xf32>
    %sub3A_733 = arith.subf %get3A_727, %get3A_732 : vector<16xf32>
    %swap3A_734 = arith.constant 736 : index
    %swap3A_735 = tpu.vector_load %arg7[%swap3A_734] {strides = array<i32>} : memref<768xf32, #tpu.memory_space<vmem>>, vector<16xf32>,
    %swap3A_736 = vector.shape_cast %swap3A_735 : vector<16xf32> to vector<16xf32>
    %swap3A_737 = vector.shape_cast %sub3A_733 : vector<16xf32> to vector<16xf32>
    tpu.vector_store %arg7[%swap3A_734], %swap3A_737 {strides = array<i32>} : memref<768xf32, #tpu.memory_space<vmem>>, vector<16xf32>,
    %get3A_738 = arith.constant 1 : i32
    %get3A_739 = arith.index_cast %get3A_738 : i32 to index
    %get3A_740 = arith.constant 752 : index
    %get3A_741 = tpu.vector_load %arg6[%get3A_739, %get3A_740] {strides = array<i32>} : memref<2x768xf32, #tpu.memory_space<vmem>>, vector<1x16xf32>,
    %get3A_742 = vector.shape_cast %get3A_741 : vector<1x16xf32> to vector<16xf32>
    %get3A_743 = arith.constant 0 : i32
    %get3A_744 = arith.index_cast %get3A_743 : i32 to index
    %get3A_745 = arith.constant 752 : index
    %get3A_746 = tpu.vector_load %arg6[%get3A_744, %get3A_745] {strides = array<i32>} : memref<2x768xf32, #tpu.memory_space<vmem>>, vector<1x16xf32>,
    %get3A_747 = vector.shape_cast %get3A_746 : vector<1x16xf32> to vector<16xf32>
    %sub3A_748 = arith.subf %get3A_742, %get3A_747 : vector<16xf32>
    %swap3A_749 = arith.constant 752 : index
    %swap3A_750 = tpu.vector_load %arg7[%swap3A_749] {strides = array<i32>} : memref<768xf32, #tpu.memory_space<vmem>>, vector<16xf32>,
    %swap3A_751 = vector.shape_cast %swap3A_750 : vector<16xf32> to vector<16xf32>
    %swap3A_752 = vector.shape_cast %sub3A_748 : vector<16xf32> to vector<16xf32>
    tpu.vector_store %arg7[%swap3A_749], %swap3A_752 {strides = array<i32>} : memref<768xf32, #tpu.memory_space<vmem>>, vector<16xf32>,
    %scan3A = arith.constant 0 : i32
    %scan3A_753 = arith.constant 0 : i32
    %scan3A_754 = arith.constant 8 : i32
    %scan3A_755 = arith.addi %scan3A_753, %scan3A_754 : i32
    %scan3A_756 = arith.constant 1 : i32
    scf.for %scan3A_773 = %scan3A_753 to %scan3A_755 step %scan3A_756  : i32 {
      %mul3A_774 = arith.constant 4 : i32
      %mul3A_775 = arith.muli %scan3A_773, %mul3A_774 : i32
      %gt3A = arith.constant 0 : i32
      %gt3A_776 = arith.cmpi sgt, %scan3A_773, %gt3A : i32
      %convert_element_type3A = arith.extui %gt3A_776 : i1 to i32
      %cond3A = arith.constant 0 : i32
      %cond3A_777 = arith.cmpi ne, %convert_element_type3A, %cond3A : i32
      scf.if %cond3A_777 {
        %dma_wait3A_860 = arith.constant 0 : i32
        %dma_wait3A_861 = tpu.memref_slice %arg4[%mul3A_2, %dma_wait3A_860] : memref<32768x768xf32, #tpu.memory_space<hbm>> -> memref<32x768xf32, #tpu.memory_space<hbm>>
        %dma_wait3A_862 = arith.constant 0 : i32
        %dma_wait3A_863 = tpu.memref_slice %arg4[%mul3A_2, %dma_wait3A_862] : memref<32768x768xf32, #tpu.memory_space<hbm>> -> memref<32x768xf32, #tpu.memory_space<hbm>>
        tpu.wait_dma2 semaphore(%arg12 : memref<!tpu.dma_semaphore, #tpu.memory_space<semaphore_mem>>) src(%arg8 : memref<32x768xf32, #tpu.memory_space<vmem>>) dst(%dma_wait3A_863 : memref<32x768xf32, #tpu.memory_space<hbm>>)
      } else {
      }
      %add3A_778 = arith.constant 0 : i32
      %add3A_779 = arith.addi %mul3A_775, %add3A_778 : i32
      %scan3A_780 = arith.constant 0 : i32
      %scan3A_781 = arith.constant 0 : i32
      %scan3A_782 = arith.constant 6 : i32
      %scan3A_783 = arith.addi %scan3A_781, %scan3A_782 : i32
      %scan3A_784 = arith.constant 1 : i32
      scf.for %scan3A_860 = %scan3A_781 to %scan3A_783 step %scan3A_784  : i32 {
        %mul3A_861 = arith.constant 8 : i32
        %mul3A_862 = arith.muli %scan3A_860, %mul3A_861 : i32
        %mul3A_863 = arith.constant 16 : i32
        %mul3A_864 = arith.muli %mul3A_862, %mul3A_863 : i32
        %add3A_865 = arith.constant 0 : i32
        %add3A_866 = arith.addi %mul3A_864, %add3A_865 : i32
        %get3A_867 = arith.constant 0 : i32
        %get3A_868 = arith.index_cast %get3A_867 : i32 to index
        %get3A_869 = arith.index_cast %add3A_866 : i32 to index
        %get3A_870 = tpu.vector_load %arg6[%get3A_868, %get3A_869] {strides = array<i32>} : memref<2x768xf32, #tpu.memory_space<vmem>>, vector<1x16xf32>,
        %get3A_871 = vector.shape_cast %get3A_870 : vector<1x16xf32> to vector<16xf32>
        %add3A_872 = arith.constant 16 : i32
        %add3A_873 = arith.addi %mul3A_864, %add3A_872 : i32
        %get3A_874 = arith.constant 0 : i32
        %get3A_875 = arith.index_cast %get3A_874 : i32 to index
        %get3A_876 = arith.index_cast %add3A_873 : i32 to index
        %get3A_877 = tpu.vector_load %arg6[%get3A_875, %get3A_876] {strides = array<i32>} : memref<2x768xf32, #tpu.memory_space<vmem>>, vector<1x16xf32>,
        %get3A_878 = vector.shape_cast %get3A_877 : vector<1x16xf32> to vector<16xf32>
        %add3A_879 = arith.constant 32 : i32
        %add3A_880 = arith.addi %mul3A_864, %add3A_879 : i32
        %get3A_881 = arith.constant 0 : i32
        %get3A_882 = arith.index_cast %get3A_881 : i32 to index
        %get3A_883 = arith.index_cast %add3A_880 : i32 to index
        %get3A_884 = tpu.vector_load %arg6[%get3A_882, %get3A_883] {strides = array<i32>} : memref<2x768xf32, #tpu.memory_space<vmem>>, vector<1x16xf32>,
        %get3A_885 = vector.shape_cast %get3A_884 : vector<1x16xf32> to vector<16xf32>
        %add3A_886 = arith.constant 48 : i32
        %add3A_887 = arith.addi %mul3A_864, %add3A_886 : i32
        %get3A_888 = arith.constant 0 : i32
        %get3A_889 = arith.index_cast %get3A_888 : i32 to index
        %get3A_890 = arith.index_cast %add3A_887 : i32 to index
        %get3A_891 = tpu.vector_load %arg6[%get3A_889, %get3A_890] {strides = array<i32>} : memref<2x768xf32, #tpu.memory_space<vmem>>, vector<1x16xf32>,
        %get3A_892 = vector.shape_cast %get3A_891 : vector<1x16xf32> to vector<16xf32>
        %add3A_893 = arith.constant 64 : i32
        %add3A_894 = arith.addi %mul3A_864, %add3A_893 : i32
        %get3A_895 = arith.constant 0 : i32
        %get3A_896 = arith.index_cast %get3A_895 : i32 to index
        %get3A_897 = arith.index_cast %add3A_894 : i32 to index
        %get3A_898 = tpu.vector_load %arg6[%get3A_896, %get3A_897] {strides = array<i32>} : memref<2x768xf32, #tpu.memory_space<vmem>>, vector<1x16xf32>,
        %get3A_899 = vector.shape_cast %get3A_898 : vector<1x16xf32> to vector<16xf32>
        %add3A_900 = arith.constant 80 : i32
        %add3A_901 = arith.addi %mul3A_864, %add3A_900 : i32
        %get3A_902 = arith.constant 0 : i32
        %get3A_903 = arith.index_cast %get3A_902 : i32 to index
        %get3A_904 = arith.index_cast %add3A_901 : i32 to index
        %get3A_905 = tpu.vector_load %arg6[%get3A_903, %get3A_904] {strides = array<i32>} : memref<2x768xf32, #tpu.memory_space<vmem>>, vector<1x16xf32>,
        %get3A_906 = vector.shape_cast %get3A_905 : vector<1x16xf32> to vector<16xf32>
        %add3A_907 = arith.constant 96 : i32
        %add3A_908 = arith.addi %mul3A_864, %add3A_907 : i32
        %get3A_909 = arith.constant 0 : i32
        %get3A_910 = arith.index_cast %get3A_909 : i32 to index
        %get3A_911 = arith.index_cast %add3A_908 : i32 to index
        %get3A_912 = tpu.vector_load %arg6[%get3A_910, %get3A_911] {strides = array<i32>} : memref<2x768xf32, #tpu.memory_space<vmem>>, vector<1x16xf32>,
        %get3A_913 = vector.shape_cast %get3A_912 : vector<1x16xf32> to vector<16xf32>
        %add3A_914 = arith.constant 112 : i32
        %add3A_915 = arith.addi %mul3A_864, %add3A_914 : i32
        %get3A_916 = arith.constant 0 : i32
        %get3A_917 = arith.index_cast %get3A_916 : i32 to index
        %get3A_918 = arith.index_cast %add3A_915 : i32 to index
        %get3A_919 = tpu.vector_load %arg6[%get3A_917, %get3A_918] {strides = array<i32>} : memref<2x768xf32, #tpu.memory_space<vmem>>, vector<1x16xf32>,
        %get3A_920 = vector.shape_cast %get3A_919 : vector<1x16xf32> to vector<16xf32>
        %add3A_921 = arith.constant 0 : i32
        %add3A_922 = arith.addi %mul3A_864, %add3A_921 : i32
        %get3A_923 = arith.index_cast %add3A_922 : i32 to index
        %get3A_924 = tpu.vector_load %arg7[%get3A_923] {strides = array<i32>} : memref<768xf32, #tpu.memory_space<vmem>>, vector<16xf32>,
        %get3A_925 = vector.shape_cast %get3A_924 : vector<16xf32> to vector<16xf32>
        %add3A_926 = arith.constant 16 : i32
        %add3A_927 = arith.addi %mul3A_864, %add3A_926 : i32
        %get3A_928 = arith.index_cast %add3A_927 : i32 to index
        %get3A_929 = tpu.vector_load %arg7[%get3A_928] {strides = array<i32>} : memref<768xf32, #tpu.memory_space<vmem>>, vector<16xf32>,
        %get3A_930 = vector.shape_cast %get3A_929 : vector<16xf32> to vector<16xf32>
        %add3A_931 = arith.constant 32 : i32
        %add3A_932 = arith.addi %mul3A_864, %add3A_931 : i32
        %get3A_933 = arith.index_cast %add3A_932 : i32 to index
        %get3A_934 = tpu.vector_load %arg7[%get3A_933] {strides = array<i32>} : memref<768xf32, #tpu.memory_space<vmem>>, vector<16xf32>,
        %get3A_935 = vector.shape_cast %get3A_934 : vector<16xf32> to vector<16xf32>
        %add3A_936 = arith.constant 48 : i32
        %add3A_937 = arith.addi %mul3A_864, %add3A_936 : i32
        %get3A_938 = arith.index_cast %add3A_937 : i32 to index
        %get3A_939 = tpu.vector_load %arg7[%get3A_938] {strides = array<i32>} : memref<768xf32, #tpu.memory_space<vmem>>, vector<16xf32>,
        %get3A_940 = vector.shape_cast %get3A_939 : vector<16xf32> to vector<16xf32>
        %add3A_941 = arith.constant 64 : i32
        %add3A_942 = arith.addi %mul3A_864, %add3A_941 : i32
        %get3A_943 = arith.index_cast %add3A_942 : i32 to index
        %get3A_944 = tpu.vector_load %arg7[%get3A_943] {strides = array<i32>} : memref<768xf32, #tpu.memory_space<vmem>>, vector<16xf32>,
        %get3A_945 = vector.shape_cast %get3A_944 : vector<16xf32> to vector<16xf32>
        %add3A_946 = arith.constant 80 : i32
        %add3A_947 = arith.addi %mul3A_864, %add3A_946 : i32
        %get3A_948 = arith.index_cast %add3A_947 : i32 to index
        %get3A_949 = tpu.vector_load %arg7[%get3A_948] {strides = array<i32>} : memref<768xf32, #tpu.memory_space<vmem>>, vector<16xf32>,
        %get3A_950 = vector.shape_cast %get3A_949 : vector<16xf32> to vector<16xf32>
        %add3A_951 = arith.constant 96 : i32
        %add3A_952 = arith.addi %mul3A_864, %add3A_951 : i32
        %get3A_953 = arith.index_cast %add3A_952 : i32 to index
        %get3A_954 = tpu.vector_load %arg7[%get3A_953] {strides = array<i32>} : memref<768xf32, #tpu.memory_space<vmem>>, vector<16xf32>,
        %get3A_955 = vector.shape_cast %get3A_954 : vector<16xf32> to vector<16xf32>
        %add3A_956 = arith.constant 112 : i32
        %add3A_957 = arith.addi %mul3A_864, %add3A_956 : i32
        %get3A_958 = arith.index_cast %add3A_957 : i32 to index
        %get3A_959 = tpu.vector_load %arg7[%get3A_958] {strides = array<i32>} : memref<768xf32, #tpu.memory_space<vmem>>, vector<16xf32>,
        %get3A_960 = vector.shape_cast %get3A_959 : vector<16xf32> to vector<16xf32>
        %scan3A_961 = arith.constant 0 : i32
        %scan3A_962 = arith.constant 0 : i32
        %scan3A_963 = arith.constant 2 : i32
        %scan3A_964 = arith.addi %scan3A_962, %scan3A_963 : i32
        %scan3A_965 = arith.constant 1 : i32
        scf.for %scan3A_967 = %scan3A_962 to %scan3A_964 step %scan3A_965  : i32 {
          %mul3A_968 = arith.constant 32 : i32
          %mul3A_969 = arith.muli %add3A_779, %mul3A_968 : i32
          %mul3A_970 = arith.constant 16 : i32
          %mul3A_971 = arith.muli %scan3A_967, %mul3A_970 : i32
          %add3A_972 = arith.addi %mul3A_969, %mul3A_971 : i32
          %get3A_973 = arith.index_cast %add3A_972 : i32 to index
          %get3A_974 = tpu.vector_load %arg5[%get3A_973] {strides = array<i32>} : memref<1024xi32, #tpu.memory_space<vmem>>, vector<16xi32>,
          %get3A_975 = vector.shape_cast %get3A_974 : vector<16xi32> to vector<16xi32>
          %convert_element_type3A_976 = arith.sitofp %get3A_975 : vector<16xi32> to vector<16xf32>
          %scan3A_977 = arith.constant 0 : i32
          %scan3A_978 = arith.constant 0 : i32
          %scan3A_979 = arith.constant 16 : i32
          %scan3A_980 = arith.addi %scan3A_978, %scan3A_979 : i32
          %scan3A_981 = arith.constant 1 : i32
          scf.for %scan3A_983 = %scan3A_978 to %scan3A_980 step %scan3A_981  : i32 {
            %broadcast_in_dim3A = vector.broadcast %scan3A_983 : i32 to vector<16xi32>
            %broadcast_in_dim3A_984 = vector.shape_cast %broadcast_in_dim3A : vector<16xi32> to vector<16x1xi32>
            %gather3A = vector.shape_cast %broadcast_in_dim3A_984 : vector<16x1xi32> to vector<16xi32>
            %gather3A_985 = tpu.dynamic_gather %convert_element_type3A_976[%gather3A] in [0] : vector<16xf32>, vector<16xi32> -> vector<16xf32>
            %mul3A_986 = arith.constant 16 : i32
            %mul3A_987 = arith.muli %scan3A_967, %mul3A_986 : i32
            %add3A_988 = arith.addi %mul3A_987, %scan3A_983 : i32
            %mul3A_989 = arith.mulf %gather3A_985, %get3A_925 : vector<16xf32>
            %add3A_990 = arith.addf %get3A_871, %mul3A_989 : vector<16xf32>
            %add3A_991 = arith.constant 0 : i32
            %add3A_992 = arith.addi %mul3A_864, %add3A_991 : i32
            %swap3A_993 = arith.index_cast %add3A_988 : i32 to index
            %swap3A_994 = arith.index_cast %add3A_992 : i32 to index
            %swap3A_995 = tpu.vector_load %arg8[%swap3A_993, %swap3A_994] {strides = array<i32>} : memref<32x768xf32, #tpu.memory_space<vmem>>, vector<1x16xf32>,
            %swap3A_996 = vector.shape_cast %swap3A_995 : vector<1x16xf32> to vector<16xf32>
            %swap3A_997 = vector.shape_cast %add3A_990 : vector<16xf32> to vector<1x16xf32>
            tpu.vector_store %arg8[%swap3A_993, %swap3A_994], %swap3A_997 {strides = array<i32>} : memref<32x768xf32, #tpu.memory_space<vmem>>, vector<1x16xf32>,
            %mul3A_998 = arith.mulf %gather3A_985, %get3A_930 : vector<16xf32>
            %add3A_999 = arith.addf %get3A_878, %mul3A_998 : vector<16xf32>
            %add3A_1000 = arith.constant 16 : i32
            %add3A_1001 = arith.addi %mul3A_864, %add3A_1000 : i32
            %swap3A_1002 = arith.index_cast %add3A_988 : i32 to index
            %swap3A_1003 = arith.index_cast %add3A_1001 : i32 to index
            %swap3A_1004 = tpu.vector_load %arg8[%swap3A_1002, %swap3A_1003] {strides = array<i32>} : memref<32x768xf32, #tpu.memory_space<vmem>>, vector<1x16xf32>,
            %swap3A_1005 = vector.shape_cast %swap3A_1004 : vector<1x16xf32> to vector<16xf32>
            %swap3A_1006 = vector.shape_cast %add3A_999 : vector<16xf32> to vector<1x16xf32>
            tpu.vector_store %arg8[%swap3A_1002, %swap3A_1003], %swap3A_1006 {strides = array<i32>} : memref<32x768xf32, #tpu.memory_space<vmem>>, vector<1x16xf32>,
            %mul3A_1007 = arith.mulf %gather3A_985, %get3A_935 : vector<16xf32>
            %add3A_1008 = arith.addf %get3A_885, %mul3A_1007 : vector<16xf32>
            %add3A_1009 = arith.constant 32 : i32
            %add3A_1010 = arith.addi %mul3A_864, %add3A_1009 : i32
            %swap3A_1011 = arith.index_cast %add3A_988 : i32 to index
            %swap3A_1012 = arith.index_cast %add3A_1010 : i32 to index
            %swap3A_1013 = tpu.vector_load %arg8[%swap3A_1011, %swap3A_1012] {strides = array<i32>} : memref<32x768xf32, #tpu.memory_space<vmem>>, vector<1x16xf32>,
            %swap3A_1014 = vector.shape_cast %swap3A_1013 : vector<1x16xf32> to vector<16xf32>
            %swap3A_1015 = vector.shape_cast %add3A_1008 : vector<16xf32> to vector<1x16xf32>
            tpu.vector_store %arg8[%swap3A_1011, %swap3A_1012], %swap3A_1015 {strides = array<i32>} : memref<32x768xf32, #tpu.memory_space<vmem>>, vector<1x16xf32>,
            %mul3A_1016 = arith.mulf %gather3A_985, %get3A_940 : vector<16xf32>
            %add3A_1017 = arith.addf %get3A_892, %mul3A_1016 : vector<16xf32>
            %add3A_1018 = arith.constant 48 : i32
            %add3A_1019 = arith.addi %mul3A_864, %add3A_1018 : i32
            %swap3A_1020 = arith.index_cast %add3A_988 : i32 to index
            %swap3A_1021 = arith.index_cast %add3A_1019 : i32 to index
            %swap3A_1022 = tpu.vector_load %arg8[%swap3A_1020, %swap3A_1021] {strides = array<i32>} : memref<32x768xf32, #tpu.memory_space<vmem>>, vector<1x16xf32>,
            %swap3A_1023 = vector.shape_cast %swap3A_1022 : vector<1x16xf32> to vector<16xf32>
            %swap3A_1024 = vector.shape_cast %add3A_1017 : vector<16xf32> to vector<1x16xf32>
            tpu.vector_store %arg8[%swap3A_1020, %swap3A_1021], %swap3A_1024 {strides = array<i32>} : memref<32x768xf32, #tpu.memory_space<vmem>>, vector<1x16xf32>,
            %mul3A_1025 = arith.mulf %gather3A_985, %get3A_945 : vector<16xf32>
            %add3A_1026 = arith.addf %get3A_899, %mul3A_1025 : vector<16xf32>
            %add3A_1027 = arith.constant 64 : i32
            %add3A_1028 = arith.addi %mul3A_864, %add3A_1027 : i32
            %swap3A_1029 = arith.index_cast %add3A_988 : i32 to index
            %swap3A_1030 = arith.index_cast %add3A_1028 : i32 to index
            %swap3A_1031 = tpu.vector_load %arg8[%swap3A_1029, %swap3A_1030] {strides = array<i32>} : memref<32x768xf32, #tpu.memory_space<vmem>>, vector<1x16xf32>,
            %swap3A_1032 = vector.shape_cast %swap3A_1031 : vector<1x16xf32> to vector<16xf32>
            %swap3A_1033 = vector.shape_cast %add3A_1026 : vector<16xf32> to vector<1x16xf32>
            tpu.vector_store %arg8[%swap3A_1029, %swap3A_1030], %swap3A_1033 {strides = array<i32>} : memref<32x768xf32, #tpu.memory_space<vmem>>, vector<1x16xf32>,
            %mul3A_1034 = arith.mulf %gather3A_985, %get3A_950 : vector<16xf32>
            %add3A_1035 = arith.addf %get3A_906, %mul3A_1034 : vector<16xf32>
            %add3A_1036 = arith.constant 80 : i32
            %add3A_1037 = arith.addi %mul3A_864, %add3A_1036 : i32
            %swap3A_1038 = arith.index_cast %add3A_988 : i32 to index
            %swap3A_1039 = arith.index_cast %add3A_1037 : i32 to index
            %swap3A_1040 = tpu.vector_load %arg8[%swap3A_1038, %swap3A_1039] {strides = array<i32>} : memref<32x768xf32, #tpu.memory_space<vmem>>, vector<1x16xf32>,
            %swap3A_1041 = vector.shape_cast %swap3A_1040 : vector<1x16xf32> to vector<16xf32>
            %swap3A_1042 = vector.shape_cast %add3A_1035 : vector<16xf32> to vector<1x16xf32>
            tpu.vector_store %arg8[%swap3A_1038, %swap3A_1039], %swap3A_1042 {strides = array<i32>} : memref<32x768xf32, #tpu.memory_space<vmem>>, vector<1x16xf32>,
            %mul3A_1043 = arith.mulf %gather3A_985, %get3A_955 : vector<16xf32>
            %add3A_1044 = arith.addf %get3A_913, %mul3A_1043 : vector<16xf32>
            %add3A_1045 = arith.constant 96 : i32
            %add3A_1046 = arith.addi %mul3A_864, %add3A_1045 : i32
            %swap3A_1047 = arith.index_cast %add3A_988 : i32 to index
            %swap3A_1048 = arith.index_cast %add3A_1046 : i32 to index
            %swap3A_1049 = tpu.vector_load %arg8[%swap3A_1047, %swap3A_1048] {strides = array<i32>} : memref<32x768xf32, #tpu.memory_space<vmem>>, vector<1x16xf32>,
            %swap3A_1050 = vector.shape_cast %swap3A_1049 : vector<1x16xf32> to vector<16xf32>
            %swap3A_1051 = vector.shape_cast %add3A_1044 : vector<16xf32> to vector<1x16xf32>
            tpu.vector_store %arg8[%swap3A_1047, %swap3A_1048], %swap3A_1051 {strides = array<i32>} : memref<32x768xf32, #tpu.memory_space<vmem>>, vector<1x16xf32>,
            %mul3A_1052 = arith.mulf %gather3A_985, %get3A_960 : vector<16xf32>
            %add3A_1053 = arith.addf %get3A_920, %mul3A_1052 : vector<16xf32>
            %add3A_1054 = arith.constant 112 : i32
            %add3A_1055 = arith.addi %mul3A_864, %add3A_1054 : i32
            %swap3A_1056 = arith.index_cast %add3A_988 : i32 to index
            %swap3A_1057 = arith.index_cast %add3A_1055 : i32 to index
            %swap3A_1058 = tpu.vector_load %arg8[%swap3A_1056, %swap3A_1057] {strides = array<i32>} : memref<32x768xf32, #tpu.memory_space<vmem>>, vector<1x16xf32>,
            %swap3A_1059 = vector.shape_cast %swap3A_1058 : vector<1x16xf32> to vector<16xf32>
            %swap3A_1060 = vector.shape_cast %add3A_1053 : vector<16xf32> to vector<1x16xf32>
            tpu.vector_store %arg8[%swap3A_1056, %swap3A_1057], %swap3A_1060 {strides = array<i32>} : memref<32x768xf32, #tpu.memory_space<vmem>>, vector<1x16xf32>,
          }
          %scan3A_982 = arith.constant 16 : i32
        }
        %scan3A_966 = arith.constant 2 : i32
      }
      %scan3A_785 = arith.constant 6 : i32
      %add3A_786 = arith.constant 0 : i32
      %add3A_787 = arith.addi %mul3A_775, %add3A_786 : i32
      %mul3A_788 = arith.constant 32 : i32
      %mul3A_789 = arith.muli %add3A_787, %mul3A_788 : i32
      %add3A_790 = arith.addi %mul3A_2, %mul3A_789 : i32
      %dma_start3A = arith.constant 0 : i32
      %dma_start3A_791 = tpu.memref_slice %arg4[%add3A_790, %dma_start3A] : memref<32768x768xf32, #tpu.memory_space<hbm>> -> memref<32x768xf32, #tpu.memory_space<hbm>>
      %dma_start3A_792 = arith.constant 0 : i32
      %dma_start3A_793 = tpu.memref_slice %arg4[%add3A_790, %dma_start3A_792] : memref<32768x768xf32, #tpu.memory_space<hbm>> -> memref<32x768xf32, #tpu.memory_space<hbm>>
      tpu.enqueue_dma source(%arg8 : memref<32x768xf32, #tpu.memory_space<vmem>>) target(%dma_start3A_793 : memref<32x768xf32, #tpu.memory_space<hbm>>) target_semaphore(%arg12 : memref<!tpu.dma_semaphore, #tpu.memory_space<semaphore_mem>>)
      %gt3A_794 = arith.constant 0 : i32
      %gt3A_795 = arith.cmpi sgt, %scan3A_773, %gt3A_794 : i32
      %convert_element_type3A_796 = arith.extui %gt3A_795 : i1 to i32
      %cond3A_797 = arith.constant 0 : i32
      %cond3A_798 = arith.cmpi ne, %convert_element_type3A_796, %cond3A_797 : i32
      scf.if %cond3A_798 {
        %dma_wait3A_860 = arith.constant 0 : i32
        %dma_wait3A_861 = tpu.memref_slice %arg4[%mul3A_2, %dma_wait3A_860] : memref<32768x768xf32, #tpu.memory_space<hbm>> -> memref<32x768xf32, #tpu.memory_space<hbm>>
        %dma_wait3A_862 = arith.constant 0 : i32
        %dma_wait3A_863 = tpu.memref_slice %arg4[%mul3A_2, %dma_wait3A_862] : memref<32768x768xf32, #tpu.memory_space<hbm>> -> memref<32x768xf32, #tpu.memory_space<hbm>>
        tpu.wait_dma2 semaphore(%arg13 : memref<!tpu.dma_semaphore, #tpu.memory_space<semaphore_mem>>) src(%arg9 : memref<32x768xf32, #tpu.memory_space<vmem>>) dst(%dma_wait3A_863 : memref<32x768xf32, #tpu.memory_space<hbm>>)
      } else {
      }
      %add3A_799 = arith.constant 1 : i32
      %add3A_800 = arith.addi %mul3A_775, %add3A_799 : i32
      %scan3A_801 = arith.constant 0 : i32
      %scan3A_802 = arith.constant 0 : i32
      %scan3A_803 = arith.constant 6 : i32
      %scan3A_804 = arith.addi %scan3A_802, %scan3A_803 : i32
      %scan3A_805 = arith.constant 1 : i32
      scf.for %scan3A_860 = %scan3A_802 to %scan3A_804 step %scan3A_805  : i32 {
        %mul3A_861 = arith.constant 8 : i32
        %mul3A_862 = arith.muli %scan3A_860, %mul3A_861 : i32
        %mul3A_863 = arith.constant 16 : i32
        %mul3A_864 = arith.muli %mul3A_862, %mul3A_863 : i32
        %add3A_865 = arith.constant 0 : i32
        %add3A_866 = arith.addi %mul3A_864, %add3A_865 : i32
        %get3A_867 = arith.constant 0 : i32
        %get3A_868 = arith.index_cast %get3A_867 : i32 to index
        %get3A_869 = arith.index_cast %add3A_866 : i32 to index
        %get3A_870 = tpu.vector_load %arg6[%get3A_868, %get3A_869] {strides = array<i32>} : memref<2x768xf32, #tpu.memory_space<vmem>>, vector<1x16xf32>,
        %get3A_871 = vector.shape_cast %get3A_870 : vector<1x16xf32> to vector<16xf32>
        %add3A_872 = arith.constant 16 : i32
        %add3A_873 = arith.addi %mul3A_864, %add3A_872 : i32
        %get3A_874 = arith.constant 0 : i32
        %get3A_875 = arith.index_cast %get3A_874 : i32 to index
        %get3A_876 = arith.index_cast %add3A_873 : i32 to index
        %get3A_877 = tpu.vector_load %arg6[%get3A_875, %get3A_876] {strides = array<i32>} : memref<2x768xf32, #tpu.memory_space<vmem>>, vector<1x16xf32>,
        %get3A_878 = vector.shape_cast %get3A_877 : vector<1x16xf32> to vector<16xf32>
        %add3A_879 = arith.constant 32 : i32
        %add3A_880 = arith.addi %mul3A_864, %add3A_879 : i32
        %get3A_881 = arith.constant 0 : i32
        %get3A_882 = arith.index_cast %get3A_881 : i32 to index
        %get3A_883 = arith.index_cast %add3A_880 : i32 to index
        %get3A_884 = tpu.vector_load %arg6[%get3A_882, %get3A_883] {strides = array<i32>} : memref<2x768xf32, #tpu.memory_space<vmem>>, vector<1x16xf32>,
        %get3A_885 = vector.shape_cast %get3A_884 : vector<1x16xf32> to vector<16xf32>
        %add3A_886 = arith.constant 48 : i32
        %add3A_887 = arith.addi %mul3A_864, %add3A_886 : i32
        %get3A_888 = arith.constant 0 : i32
        %get3A_889 = arith.index_cast %get3A_888 : i32 to index
        %get3A_890 = arith.index_cast %add3A_887 : i32 to index
        %get3A_891 = tpu.vector_load %arg6[%get3A_889, %get3A_890] {strides = array<i32>} : memref<2x768xf32, #tpu.memory_space<vmem>>, vector<1x16xf32>,
        %get3A_892 = vector.shape_cast %get3A_891 : vector<1x16xf32> to vector<16xf32>
        %add3A_893 = arith.constant 64 : i32
        %add3A_894 = arith.addi %mul3A_864, %add3A_893 : i32
        %get3A_895 = arith.constant 0 : i32
        %get3A_896 = arith.index_cast %get3A_895 : i32 to index
        %get3A_897 = arith.index_cast %add3A_894 : i32 to index
        %get3A_898 = tpu.vector_load %arg6[%get3A_896, %get3A_897] {strides = array<i32>} : memref<2x768xf32, #tpu.memory_space<vmem>>, vector<1x16xf32>,
        %get3A_899 = vector.shape_cast %get3A_898 : vector<1x16xf32> to vector<16xf32>
        %add3A_900 = arith.constant 80 : i32
        %add3A_901 = arith.addi %mul3A_864, %add3A_900 : i32
        %get3A_902 = arith.constant 0 : i32
        %get3A_903 = arith.index_cast %get3A_902 : i32 to index
        %get3A_904 = arith.index_cast %add3A_901 : i32 to index
        %get3A_905 = tpu.vector_load %arg6[%get3A_903, %get3A_904] {strides = array<i32>} : memref<2x768xf32, #tpu.memory_space<vmem>>, vector<1x16xf32>,
        %get3A_906 = vector.shape_cast %get3A_905 : vector<1x16xf32> to vector<16xf32>
        %add3A_907 = arith.constant 96 : i32
        %add3A_908 = arith.addi %mul3A_864, %add3A_907 : i32
        %get3A_909 = arith.constant 0 : i32
        %get3A_910 = arith.index_cast %get3A_909 : i32 to index
        %get3A_911 = arith.index_cast %add3A_908 : i32 to index
        %get3A_912 = tpu.vector_load %arg6[%get3A_910, %get3A_911] {strides = array<i32>} : memref<2x768xf32, #tpu.memory_space<vmem>>, vector<1x16xf32>,
        %get3A_913 = vector.shape_cast %get3A_912 : vector<1x16xf32> to vector<16xf32>
        %add3A_914 = arith.constant 112 : i32
        %add3A_915 = arith.addi %mul3A_864, %add3A_914 : i32
        %get3A_916 = arith.constant 0 : i32
        %get3A_917 = arith.index_cast %get3A_916 : i32 to index
        %get3A_918 = arith.index_cast %add3A_915 : i32 to index
        %get3A_919 = tpu.vector_load %arg6[%get3A_917, %get3A_918] {strides = array<i32>} : memref<2x768xf32, #tpu.memory_space<vmem>>, vector<1x16xf32>,
        %get3A_920 = vector.shape_cast %get3A_919 : vector<1x16xf32> to vector<16xf32>
        %add3A_921 = arith.constant 0 : i32
        %add3A_922 = arith.addi %mul3A_864, %add3A_921 : i32
        %get3A_923 = arith.index_cast %add3A_922 : i32 to index
        %get3A_924 = tpu.vector_load %arg7[%get3A_923] {strides = array<i32>} : memref<768xf32, #tpu.memory_space<vmem>>, vector<16xf32>,
        %get3A_925 = vector.shape_cast %get3A_924 : vector<16xf32> to vector<16xf32>
        %add3A_926 = arith.constant 16 : i32
        %add3A_927 = arith.addi %mul3A_864, %add3A_926 : i32
        %get3A_928 = arith.index_cast %add3A_927 : i32 to index
        %get3A_929 = tpu.vector_load %arg7[%get3A_928] {strides = array<i32>} : memref<768xf32, #tpu.memory_space<vmem>>, vector<16xf32>,
        %get3A_930 = vector.shape_cast %get3A_929 : vector<16xf32> to vector<16xf32>
        %add3A_931 = arith.constant 32 : i32
        %add3A_932 = arith.addi %mul3A_864, %add3A_931 : i32
        %get3A_933 = arith.index_cast %add3A_932 : i32 to index
        %get3A_934 = tpu.vector_load %arg7[%get3A_933] {strides = array<i32>} : memref<768xf32, #tpu.memory_space<vmem>>, vector<16xf32>,
        %get3A_935 = vector.shape_cast %get3A_934 : vector<16xf32> to vector<16xf32>
        %add3A_936 = arith.constant 48 : i32
        %add3A_937 = arith.addi %mul3A_864, %add3A_936 : i32
        %get3A_938 = arith.index_cast %add3A_937 : i32 to index
        %get3A_939 = tpu.vector_load %arg7[%get3A_938] {strides = array<i32>} : memref<768xf32, #tpu.memory_space<vmem>>, vector<16xf32>,
        %get3A_940 = vector.shape_cast %get3A_939 : vector<16xf32> to vector<16xf32>
        %add3A_941 = arith.constant 64 : i32
        %add3A_942 = arith.addi %mul3A_864, %add3A_941 : i32
        %get3A_943 = arith.index_cast %add3A_942 : i32 to index
        %get3A_944 = tpu.vector_load %arg7[%get3A_943] {strides = array<i32>} : memref<768xf32, #tpu.memory_space<vmem>>, vector<16xf32>,
        %get3A_945 = vector.shape_cast %get3A_944 : vector<16xf32> to vector<16xf32>
        %add3A_946 = arith.constant 80 : i32
        %add3A_947 = arith.addi %mul3A_864, %add3A_946 : i32
        %get3A_948 = arith.index_cast %add3A_947 : i32 to index
        %get3A_949 = tpu.vector_load %arg7[%get3A_948] {strides = array<i32>} : memref<768xf32, #tpu.memory_space<vmem>>, vector<16xf32>,
        %get3A_950 = vector.shape_cast %get3A_949 : vector<16xf32> to vector<16xf32>
        %add3A_951 = arith.constant 96 : i32
        %add3A_952 = arith.addi %mul3A_864, %add3A_951 : i32
        %get3A_953 = arith.index_cast %add3A_952 : i32 to index
        %get3A_954 = tpu.vector_load %arg7[%get3A_953] {strides = array<i32>} : memref<768xf32, #tpu.memory_space<vmem>>, vector<16xf32>,
        %get3A_955 = vector.shape_cast %get3A_954 : vector<16xf32> to vector<16xf32>
        %add3A_956 = arith.constant 112 : i32
        %add3A_957 = arith.addi %mul3A_864, %add3A_956 : i32
        %get3A_958 = arith.index_cast %add3A_957 : i32 to index
        %get3A_959 = tpu.vector_load %arg7[%get3A_958] {strides = array<i32>} : memref<768xf32, #tpu.memory_space<vmem>>, vector<16xf32>,
        %get3A_960 = vector.shape_cast %get3A_959 : vector<16xf32> to vector<16xf32>
        %scan3A_961 = arith.constant 0 : i32
        %scan3A_962 = arith.constant 0 : i32
        %scan3A_963 = arith.constant 2 : i32
        %scan3A_964 = arith.addi %scan3A_962, %scan3A_963 : i32
        %scan3A_965 = arith.constant 1 : i32
        scf.for %scan3A_967 = %scan3A_962 to %scan3A_964 step %scan3A_965  : i32 {
          %mul3A_968 = arith.constant 32 : i32
          %mul3A_969 = arith.muli %add3A_800, %mul3A_968 : i32
          %mul3A_970 = arith.constant 16 : i32
          %mul3A_971 = arith.muli %scan3A_967, %mul3A_970 : i32
          %add3A_972 = arith.addi %mul3A_969, %mul3A_971 : i32
          %get3A_973 = arith.index_cast %add3A_972 : i32 to index
          %get3A_974 = tpu.vector_load %arg5[%get3A_973] {strides = array<i32>} : memref<1024xi32, #tpu.memory_space<vmem>>, vector<16xi32>,
          %get3A_975 = vector.shape_cast %get3A_974 : vector<16xi32> to vector<16xi32>
          %convert_element_type3A_976 = arith.sitofp %get3A_975 : vector<16xi32> to vector<16xf32>
          %scan3A_977 = arith.constant 0 : i32
          %scan3A_978 = arith.constant 0 : i32
          %scan3A_979 = arith.constant 16 : i32
          %scan3A_980 = arith.addi %scan3A_978, %scan3A_979 : i32
          %scan3A_981 = arith.constant 1 : i32
          scf.for %scan3A_983 = %scan3A_978 to %scan3A_980 step %scan3A_981  : i32 {
            %broadcast_in_dim3A = vector.broadcast %scan3A_983 : i32 to vector<16xi32>
            %broadcast_in_dim3A_984 = vector.shape_cast %broadcast_in_dim3A : vector<16xi32> to vector<16x1xi32>
            %gather3A = vector.shape_cast %broadcast_in_dim3A_984 : vector<16x1xi32> to vector<16xi32>
            %gather3A_985 = tpu.dynamic_gather %convert_element_type3A_976[%gather3A] in [0] : vector<16xf32>, vector<16xi32> -> vector<16xf32>
            %mul3A_986 = arith.constant 16 : i32
            %mul3A_987 = arith.muli %scan3A_967, %mul3A_986 : i32
            %add3A_988 = arith.addi %mul3A_987, %scan3A_983 : i32
            %mul3A_989 = arith.mulf %gather3A_985, %get3A_925 : vector<16xf32>
            %add3A_990 = arith.addf %get3A_871, %mul3A_989 : vector<16xf32>
            %add3A_991 = arith.constant 0 : i32
            %add3A_992 = arith.addi %mul3A_864, %add3A_991 : i32
            %swap3A_993 = arith.index_cast %add3A_988 : i32 to index
            %swap3A_994 = arith.index_cast %add3A_992 : i32 to index
            %swap3A_995 = tpu.vector_load %arg9[%swap3A_993, %swap3A_994] {strides = array<i32>} : memref<32x768xf32, #tpu.memory_space<vmem>>, vector<1x16xf32>,
            %swap3A_996 = vector.shape_cast %swap3A_995 : vector<1x16xf32> to vector<16xf32>
            %swap3A_997 = vector.shape_cast %add3A_990 : vector<16xf32> to vector<1x16xf32>
            tpu.vector_store %arg9[%swap3A_993, %swap3A_994], %swap3A_997 {strides = array<i32>} : memref<32x768xf32, #tpu.memory_space<vmem>>, vector<1x16xf32>,
            %mul3A_998 = arith.mulf %gather3A_985, %get3A_930 : vector<16xf32>
            %add3A_999 = arith.addf %get3A_878, %mul3A_998 : vector<16xf32>
            %add3A_1000 = arith.constant 16 : i32
            %add3A_1001 = arith.addi %mul3A_864, %add3A_1000 : i32
            %swap3A_1002 = arith.index_cast %add3A_988 : i32 to index
            %swap3A_1003 = arith.index_cast %add3A_1001 : i32 to index
            %swap3A_1004 = tpu.vector_load %arg9[%swap3A_1002, %swap3A_1003] {strides = array<i32>} : memref<32x768xf32, #tpu.memory_space<vmem>>, vector<1x16xf32>,
            %swap3A_1005 = vector.shape_cast %swap3A_1004 : vector<1x16xf32> to vector<16xf32>
            %swap3A_1006 = vector.shape_cast %add3A_999 : vector<16xf32> to vector<1x16xf32>
            tpu.vector_store %arg9[%swap3A_1002, %swap3A_1003], %swap3A_1006 {strides = array<i32>} : memref<32x768xf32, #tpu.memory_space<vmem>>, vector<1x16xf32>,
            %mul3A_1007 = arith.mulf %gather3A_985, %get3A_935 : vector<16xf32>
            %add3A_1008 = arith.addf %get3A_885, %mul3A_1007 : vector<16xf32>
            %add3A_1009 = arith.constant 32 : i32
            %add3A_1010 = arith.addi %mul3A_864, %add3A_1009 : i32
            %swap3A_1011 = arith.index_cast %add3A_988 : i32 to index
            %swap3A_1012 = arith.index_cast %add3A_1010 : i32 to index
            %swap3A_1013 = tpu.vector_load %arg9[%swap3A_1011, %swap3A_1012] {strides = array<i32>} : memref<32x768xf32, #tpu.memory_space<vmem>>, vector<1x16xf32>,
            %swap3A_1014 = vector.shape_cast %swap3A_1013 : vector<1x16xf32> to vector<16xf32>
            %swap3A_1015 = vector.shape_cast %add3A_1008 : vector<16xf32> to vector<1x16xf32>
            tpu.vector_store %arg9[%swap3A_1011, %swap3A_1012], %swap3A_1015 {strides = array<i32>} : memref<32x768xf32, #tpu.memory_space<vmem>>, vector<1x16xf32>,
            %mul3A_1016 = arith.mulf %gather3A_985, %get3A_940 : vector<16xf32>
            %add3A_1017 = arith.addf %get3A_892, %mul3A_1016 : vector<16xf32>
            %add3A_1018 = arith.constant 48 : i32
            %add3A_1019 = arith.addi %mul3A_864, %add3A_1018 : i32
            %swap3A_1020 = arith.index_cast %add3A_988 : i32 to index
            %swap3A_1021 = arith.index_cast %add3A_1019 : i32 to index
            %swap3A_1022 = tpu.vector_load %arg9[%swap3A_1020, %swap3A_1021] {strides = array<i32>} : memref<32x768xf32, #tpu.memory_space<vmem>>, vector<1x16xf32>,
            %swap3A_1023 = vector.shape_cast %swap3A_1022 : vector<1x16xf32> to vector<16xf32>
            %swap3A_1024 = vector.shape_cast %add3A_1017 : vector<16xf32> to vector<1x16xf32>
            tpu.vector_store %arg9[%swap3A_1020, %swap3A_1021], %swap3A_1024 {strides = array<i32>} : memref<32x768xf32, #tpu.memory_space<vmem>>, vector<1x16xf32>,
            %mul3A_1025 = arith.mulf %gather3A_985, %get3A_945 : vector<16xf32>
            %add3A_1026 = arith.addf %get3A_899, %mul3A_1025 : vector<16xf32>
            %add3A_1027 = arith.constant 64 : i32
            %add3A_1028 = arith.addi %mul3A_864, %add3A_1027 : i32
            %swap3A_1029 = arith.index_cast %add3A_988 : i32 to index
            %swap3A_1030 = arith.index_cast %add3A_1028 : i32 to index
            %swap3A_1031 = tpu.vector_load %arg9[%swap3A_1029, %swap3A_1030] {strides = array<i32>} : memref<32x768xf32, #tpu.memory_space<vmem>>, vector<1x16xf32>,
            %swap3A_1032 = vector.shape_cast %swap3A_1031 : vector<1x16xf32> to vector<16xf32>
            %swap3A_1033 = vector.shape_cast %add3A_1026 : vector<16xf32> to vector<1x16xf32>
            tpu.vector_store %arg9[%swap3A_1029, %swap3A_1030], %swap3A_1033 {strides = array<i32>} : memref<32x768xf32, #tpu.memory_space<vmem>>, vector<1x16xf32>,
            %mul3A_1034 = arith.mulf %gather3A_985, %get3A_950 : vector<16xf32>
            %add3A_1035 = arith.addf %get3A_906, %mul3A_1034 : vector<16xf32>
            %add3A_1036 = arith.constant 80 : i32
            %add3A_1037 = arith.addi %mul3A_864, %add3A_1036 : i32
            %swap3A_1038 = arith.index_cast %add3A_988 : i32 to index
            %swap3A_1039 = arith.index_cast %add3A_1037 : i32 to index
            %swap3A_1040 = tpu.vector_load %arg9[%swap3A_1038, %swap3A_1039] {strides = array<i32>} : memref<32x768xf32, #tpu.memory_space<vmem>>, vector<1x16xf32>,
            %swap3A_1041 = vector.shape_cast %swap3A_1040 : vector<1x16xf32> to vector<16xf32>
            %swap3A_1042 = vector.shape_cast %add3A_1035 : vector<16xf32> to vector<1x16xf32>
            tpu.vector_store %arg9[%swap3A_1038, %swap3A_1039], %swap3A_1042 {strides = array<i32>} : memref<32x768xf32, #tpu.memory_space<vmem>>, vector<1x16xf32>,
            %mul3A_1043 = arith.mulf %gather3A_985, %get3A_955 : vector<16xf32>
            %add3A_1044 = arith.addf %get3A_913, %mul3A_1043 : vector<16xf32>
            %add3A_1045 = arith.constant 96 : i32
            %add3A_1046 = arith.addi %mul3A_864, %add3A_1045 : i32
            %swap3A_1047 = arith.index_cast %add3A_988 : i32 to index
            %swap3A_1048 = arith.index_cast %add3A_1046 : i32 to index
            %swap3A_1049 = tpu.vector_load %arg9[%swap3A_1047, %swap3A_1048] {strides = array<i32>} : memref<32x768xf32, #tpu.memory_space<vmem>>, vector<1x16xf32>,
            %swap3A_1050 = vector.shape_cast %swap3A_1049 : vector<1x16xf32> to vector<16xf32>
            %swap3A_1051 = vector.shape_cast %add3A_1044 : vector<16xf32> to vector<1x16xf32>
            tpu.vector_store %arg9[%swap3A_1047, %swap3A_1048], %swap3A_1051 {strides = array<i32>} : memref<32x768xf32, #tpu.memory_space<vmem>>, vector<1x16xf32>,
            %mul3A_1052 = arith.mulf %gather3A_985, %get3A_960 : vector<16xf32>
            %add3A_1053 = arith.addf %get3A_920, %mul3A_1052 : vector<16xf32>
            %add3A_1054 = arith.constant 112 : i32
            %add3A_1055 = arith.addi %mul3A_864, %add3A_1054 : i32
            %swap3A_1056 = arith.index_cast %add3A_988 : i32 to index
            %swap3A_1057 = arith.index_cast %add3A_1055 : i32 to index
            %swap3A_1058 = tpu.vector_load %arg9[%swap3A_1056, %swap3A_1057] {strides = array<i32>} : memref<32x768xf32, #tpu.memory_space<vmem>>, vector<1x16xf32>,
            %swap3A_1059 = vector.shape_cast %swap3A_1058 : vector<1x16xf32> to vector<16xf32>
            %swap3A_1060 = vector.shape_cast %add3A_1053 : vector<16xf32> to vector<1x16xf32>
            tpu.vector_store %arg9[%swap3A_1056, %swap3A_1057], %swap3A_1060 {strides = array<i32>} : memref<32x768xf32, #tpu.memory_space<vmem>>, vector<1x16xf32>,
          }
          %scan3A_982 = arith.constant 16 : i32
        }
        %scan3A_966 = arith.constant 2 : i32
      }
      %scan3A_806 = arith.constant 6 : i32
      %add3A_807 = arith.constant 1 : i32
      %add3A_808 = arith.addi %mul3A_775, %add3A_807 : i32
      %mul3A_809 = arith.constant 32 : i32
      %mul3A_810 = arith.muli %add3A_808, %mul3A_809 : i32
      %add3A_811 = arith.addi %mul3A_2, %mul3A_810 : i32
      %dma_start3A_812 = arith.constant 0 : i32
      %dma_start3A_813 = tpu.memref_slice %arg4[%add3A_811, %dma_start3A_812] : memref<32768x768xf32, #tpu.memory_space<hbm>> -> memref<32x768xf32, #tpu.memory_space<hbm>>
      %dma_start3A_814 = arith.constant 0 : i32
      %dma_start3A_815 = tpu.memref_slice %arg4[%add3A_811, %dma_start3A_814] : memref<32768x768xf32, #tpu.memory_space<hbm>> -> memref<32x768xf32, #tpu.memory_space<hbm>>
      tpu.enqueue_dma source(%arg9 : memref<32x768xf32, #tpu.memory_space<vmem>>) target(%dma_start3A_815 : memref<32x768xf32, #tpu.memory_space<hbm>>) target_semaphore(%arg13 : memref<!tpu.dma_semaphore, #tpu.memory_space<semaphore_mem>>)
      %gt3A_816 = arith.constant 0 : i32
      %gt3A_817 = arith.cmpi sgt, %scan3A_773, %gt3A_816 : i32
      %convert_element_type3A_818 = arith.extui %gt3A_817 : i1 to i32
      %cond3A_819 = arith.constant 0 : i32
      %cond3A_820 = arith.cmpi ne, %convert_element_type3A_818, %cond3A_819 : i32
      scf.if %cond3A_820 {
        %dma_wait3A_860 = arith.constant 0 : i32
        %dma_wait3A_861 = tpu.memref_slice %arg4[%mul3A_2, %dma_wait3A_860] : memref<32768x768xf32, #tpu.memory_space<hbm>> -> memref<32x768xf32, #tpu.memory_space<hbm>>
        %dma_wait3A_862 = arith.constant 0 : i32
        %dma_wait3A_863 = tpu.memref_slice %arg4[%mul3A_2, %dma_wait3A_862] : memref<32768x768xf32, #tpu.memory_space<hbm>> -> memref<32x768xf32, #tpu.memory_space<hbm>>
        tpu.wait_dma2 semaphore(%arg14 : memref<!tpu.dma_semaphore, #tpu.memory_space<semaphore_mem>>) src(%arg10 : memref<32x768xf32, #tpu.memory_space<vmem>>) dst(%dma_wait3A_863 : memref<32x768xf32, #tpu.memory_space<hbm>>)
      } else {
      }
      %add3A_821 = arith.constant 2 : i32
      %add3A_822 = arith.addi %mul3A_775, %add3A_821 : i32
      %scan3A_823 = arith.constant 0 : i32
      %scan3A_824 = arith.constant 0 : i32
      %scan3A_825 = arith.constant 6 : i32
      %scan3A_826 = arith.addi %scan3A_824, %scan3A_825 : i32
      %scan3A_827 = arith.constant 1 : i32
      scf.for %scan3A_860 = %scan3A_824 to %scan3A_826 step %scan3A_827  : i32 {
        %mul3A_861 = arith.constant 8 : i32
        %mul3A_862 = arith.muli %scan3A_860, %mul3A_861 : i32
        %mul3A_863 = arith.constant 16 : i32
        %mul3A_864 = arith.muli %mul3A_862, %mul3A_863 : i32
        %add3A_865 = arith.constant 0 : i32
        %add3A_866 = arith.addi %mul3A_864, %add3A_865 : i32
        %get3A_867 = arith.constant 0 : i32
        %get3A_868 = arith.index_cast %get3A_867 : i32 to index
        %get3A_869 = arith.index_cast %add3A_866 : i32 to index
        %get3A_870 = tpu.vector_load %arg6[%get3A_868, %get3A_869] {strides = array<i32>} : memref<2x768xf32, #tpu.memory_space<vmem>>, vector<1x16xf32>,
        %get3A_871 = vector.shape_cast %get3A_870 : vector<1x16xf32> to vector<16xf32>
        %add3A_872 = arith.constant 16 : i32
        %add3A_873 = arith.addi %mul3A_864, %add3A_872 : i32
        %get3A_874 = arith.constant 0 : i32
        %get3A_875 = arith.index_cast %get3A_874 : i32 to index
        %get3A_876 = arith.index_cast %add3A_873 : i32 to index
        %get3A_877 = tpu.vector_load %arg6[%get3A_875, %get3A_876] {strides = array<i32>} : memref<2x768xf32, #tpu.memory_space<vmem>>, vector<1x16xf32>,
        %get3A_878 = vector.shape_cast %get3A_877 : vector<1x16xf32> to vector<16xf32>
        %add3A_879 = arith.constant 32 : i32
        %add3A_880 = arith.addi %mul3A_864, %add3A_879 : i32
        %get3A_881 = arith.constant 0 : i32
        %get3A_882 = arith.index_cast %get3A_881 : i32 to index
        %get3A_883 = arith.index_cast %add3A_880 : i32 to index
        %get3A_884 = tpu.vector_load %arg6[%get3A_882, %get3A_883] {strides = array<i32>} : memref<2x768xf32, #tpu.memory_space<vmem>>, vector<1x16xf32>,
        %get3A_885 = vector.shape_cast %get3A_884 : vector<1x16xf32> to vector<16xf32>
        %add3A_886 = arith.constant 48 : i32
        %add3A_887 = arith.addi %mul3A_864, %add3A_886 : i32
        %get3A_888 = arith.constant 0 : i32
        %get3A_889 = arith.index_cast %get3A_888 : i32 to index
        %get3A_890 = arith.index_cast %add3A_887 : i32 to index
        %get3A_891 = tpu.vector_load %arg6[%get3A_889, %get3A_890] {strides = array<i32>} : memref<2x768xf32, #tpu.memory_space<vmem>>, vector<1x16xf32>,
        %get3A_892 = vector.shape_cast %get3A_891 : vector<1x16xf32> to vector<16xf32>
        %add3A_893 = arith.constant 64 : i32
        %add3A_894 = arith.addi %mul3A_864, %add3A_893 : i32
        %get3A_895 = arith.constant 0 : i32
        %get3A_896 = arith.index_cast %get3A_895 : i32 to index
        %get3A_897 = arith.index_cast %add3A_894 : i32 to index
        %get3A_898 = tpu.vector_load %arg6[%get3A_896, %get3A_897] {strides = array<i32>} : memref<2x768xf32, #tpu.memory_space<vmem>>, vector<1x16xf32>,
        %get3A_899 = vector.shape_cast %get3A_898 : vector<1x16xf32> to vector<16xf32>
        %add3A_900 = arith.constant 80 : i32
        %add3A_901 = arith.addi %mul3A_864, %add3A_900 : i32
        %get3A_902 = arith.constant 0 : i32
        %get3A_903 = arith.index_cast %get3A_902 : i32 to index
        %get3A_904 = arith.index_cast %add3A_901 : i32 to index
        %get3A_905 = tpu.vector_load %arg6[%get3A_903, %get3A_904] {strides = array<i32>} : memref<2x768xf32, #tpu.memory_space<vmem>>, vector<1x16xf32>,
        %get3A_906 = vector.shape_cast %get3A_905 : vector<1x16xf32> to vector<16xf32>
        %add3A_907 = arith.constant 96 : i32
        %add3A_908 = arith.addi %mul3A_864, %add3A_907 : i32
        %get3A_909 = arith.constant 0 : i32
        %get3A_910 = arith.index_cast %get3A_909 : i32 to index
        %get3A_911 = arith.index_cast %add3A_908 : i32 to index
        %get3A_912 = tpu.vector_load %arg6[%get3A_910, %get3A_911] {strides = array<i32>} : memref<2x768xf32, #tpu.memory_space<vmem>>, vector<1x16xf32>,
        %get3A_913 = vector.shape_cast %get3A_912 : vector<1x16xf32> to vector<16xf32>
        %add3A_914 = arith.constant 112 : i32
        %add3A_915 = arith.addi %mul3A_864, %add3A_914 : i32
        %get3A_916 = arith.constant 0 : i32
        %get3A_917 = arith.index_cast %get3A_916 : i32 to index
        %get3A_918 = arith.index_cast %add3A_915 : i32 to index
        %get3A_919 = tpu.vector_load %arg6[%get3A_917, %get3A_918] {strides = array<i32>} : memref<2x768xf32, #tpu.memory_space<vmem>>, vector<1x16xf32>,
        %get3A_920 = vector.shape_cast %get3A_919 : vector<1x16xf32> to vector<16xf32>
        %add3A_921 = arith.constant 0 : i32
        %add3A_922 = arith.addi %mul3A_864, %add3A_921 : i32
        %get3A_923 = arith.index_cast %add3A_922 : i32 to index
        %get3A_924 = tpu.vector_load %arg7[%get3A_923] {strides = array<i32>} : memref<768xf32, #tpu.memory_space<vmem>>, vector<16xf32>,
        %get3A_925 = vector.shape_cast %get3A_924 : vector<16xf32> to vector<16xf32>
        %add3A_926 = arith.constant 16 : i32
        %add3A_927 = arith.addi %mul3A_864, %add3A_926 : i32
        %get3A_928 = arith.index_cast %add3A_927 : i32 to index
        %get3A_929 = tpu.vector_load %arg7[%get3A_928] {strides = array<i32>} : memref<768xf32, #tpu.memory_space<vmem>>, vector<16xf32>,
        %get3A_930 = vector.shape_cast %get3A_929 : vector<16xf32> to vector<16xf32>
        %add3A_931 = arith.constant 32 : i32
        %add3A_932 = arith.addi %mul3A_864, %add3A_931 : i32
        %get3A_933 = arith.index_cast %add3A_932 : i32 to index
        %get3A_934 = tpu.vector_load %arg7[%get3A_933] {strides = array<i32>} : memref<768xf32, #tpu.memory_space<vmem>>, vector<16xf32>,
        %get3A_935 = vector.shape_cast %get3A_934 : vector<16xf32> to vector<16xf32>
        %add3A_936 = arith.constant 48 : i32
        %add3A_937 = arith.addi %mul3A_864, %add3A_936 : i32
        %get3A_938 = arith.index_cast %add3A_937 : i32 to index
        %get3A_939 = tpu.vector_load %arg7[%get3A_938] {strides = array<i32>} : memref<768xf32, #tpu.memory_space<vmem>>, vector<16xf32>,
        %get3A_940 = vector.shape_cast %get3A_939 : vector<16xf32> to vector<16xf32>
        %add3A_941 = arith.constant 64 : i32
        %add3A_942 = arith.addi %mul3A_864, %add3A_941 : i32
        %get3A_943 = arith.index_cast %add3A_942 : i32 to index
        %get3A_944 = tpu.vector_load %arg7[%get3A_943] {strides = array<i32>} : memref<768xf32, #tpu.memory_space<vmem>>, vector<16xf32>,
        %get3A_945 = vector.shape_cast %get3A_944 : vector<16xf32> to vector<16xf32>
        %add3A_946 = arith.constant 80 : i32
        %add3A_947 = arith.addi %mul3A_864, %add3A_946 : i32
        %get3A_948 = arith.index_cast %add3A_947 : i32 to index
        %get3A_949 = tpu.vector_load %arg7[%get3A_948] {strides = array<i32>} : memref<768xf32, #tpu.memory_space<vmem>>, vector<16xf32>,
        %get3A_950 = vector.shape_cast %get3A_949 : vector<16xf32> to vector<16xf32>
        %add3A_951 = arith.constant 96 : i32
        %add3A_952 = arith.addi %mul3A_864, %add3A_951 : i32
        %get3A_953 = arith.index_cast %add3A_952 : i32 to index
        %get3A_954 = tpu.vector_load %arg7[%get3A_953] {strides = array<i32>} : memref<768xf32, #tpu.memory_space<vmem>>, vector<16xf32>,
        %get3A_955 = vector.shape_cast %get3A_954 : vector<16xf32> to vector<16xf32>
        %add3A_956 = arith.constant 112 : i32
        %add3A_957 = arith.addi %mul3A_864, %add3A_956 : i32
        %get3A_958 = arith.index_cast %add3A_957 : i32 to index
        %get3A_959 = tpu.vector_load %arg7[%get3A_958] {strides = array<i32>} : memref<768xf32, #tpu.memory_space<vmem>>, vector<16xf32>,
        %get3A_960 = vector.shape_cast %get3A_959 : vector<16xf32> to vector<16xf32>
        %scan3A_961 = arith.constant 0 : i32
        %scan3A_962 = arith.constant 0 : i32
        %scan3A_963 = arith.constant 2 : i32
        %scan3A_964 = arith.addi %scan3A_962, %scan3A_963 : i32
        %scan3A_965 = arith.constant 1 : i32
        scf.for %scan3A_967 = %scan3A_962 to %scan3A_964 step %scan3A_965  : i32 {
          %mul3A_968 = arith.constant 32 : i32
          %mul3A_969 = arith.muli %add3A_822, %mul3A_968 : i32
          %mul3A_970 = arith.constant 16 : i32
          %mul3A_971 = arith.muli %scan3A_967, %mul3A_970 : i32
          %add3A_972 = arith.addi %mul3A_969, %mul3A_971 : i32
          %get3A_973 = arith.index_cast %add3A_972 : i32 to index
          %get3A_974 = tpu.vector_load %arg5[%get3A_973] {strides = array<i32>} : memref<1024xi32, #tpu.memory_space<vmem>>, vector<16xi32>,
          %get3A_975 = vector.shape_cast %get3A_974 : vector<16xi32> to vector<16xi32>
          %convert_element_type3A_976 = arith.sitofp %get3A_975 : vector<16xi32> to vector<16xf32>
          %scan3A_977 = arith.constant 0 : i32
          %scan3A_978 = arith.constant 0 : i32
          %scan3A_979 = arith.constant 16 : i32
          %scan3A_980 = arith.addi %scan3A_978, %scan3A_979 : i32
          %scan3A_981 = arith.constant 1 : i32
          scf.for %scan3A_983 = %scan3A_978 to %scan3A_980 step %scan3A_981  : i32 {
            %broadcast_in_dim3A = vector.broadcast %scan3A_983 : i32 to vector<16xi32>
            %broadcast_in_dim3A_984 = vector.shape_cast %broadcast_in_dim3A : vector<16xi32> to vector<16x1xi32>
            %gather3A = vector.shape_cast %broadcast_in_dim3A_984 : vector<16x1xi32> to vector<16xi32>
            %gather3A_985 = tpu.dynamic_gather %convert_element_type3A_976[%gather3A] in [0] : vector<16xf32>, vector<16xi32> -> vector<16xf32>
            %mul3A_986 = arith.constant 16 : i32
            %mul3A_987 = arith.muli %scan3A_967, %mul3A_986 : i32
            %add3A_988 = arith.addi %mul3A_987, %scan3A_983 : i32
            %mul3A_989 = arith.mulf %gather3A_985, %get3A_925 : vector<16xf32>
            %add3A_990 = arith.addf %get3A_871, %mul3A_989 : vector<16xf32>
            %add3A_991 = arith.constant 0 : i32
            %add3A_992 = arith.addi %mul3A_864, %add3A_991 : i32
            %swap3A_993 = arith.index_cast %add3A_988 : i32 to index
            %swap3A_994 = arith.index_cast %add3A_992 : i32 to index
            %swap3A_995 = tpu.vector_load %arg10[%swap3A_993, %swap3A_994] {strides = array<i32>} : memref<32x768xf32, #tpu.memory_space<vmem>>, vector<1x16xf32>,
            %swap3A_996 = vector.shape_cast %swap3A_995 : vector<1x16xf32> to vector<16xf32>
            %swap3A_997 = vector.shape_cast %add3A_990 : vector<16xf32> to vector<1x16xf32>
            tpu.vector_store %arg10[%swap3A_993, %swap3A_994], %swap3A_997 {strides = array<i32>} : memref<32x768xf32, #tpu.memory_space<vmem>>, vector<1x16xf32>,
            %mul3A_998 = arith.mulf %gather3A_985, %get3A_930 : vector<16xf32>
            %add3A_999 = arith.addf %get3A_878, %mul3A_998 : vector<16xf32>
            %add3A_1000 = arith.constant 16 : i32
            %add3A_1001 = arith.addi %mul3A_864, %add3A_1000 : i32
            %swap3A_1002 = arith.index_cast %add3A_988 : i32 to index
            %swap3A_1003 = arith.index_cast %add3A_1001 : i32 to index
            %swap3A_1004 = tpu.vector_load %arg10[%swap3A_1002, %swap3A_1003] {strides = array<i32>} : memref<32x768xf32, #tpu.memory_space<vmem>>, vector<1x16xf32>,
            %swap3A_1005 = vector.shape_cast %swap3A_1004 : vector<1x16xf32> to vector<16xf32>
            %swap3A_1006 = vector.shape_cast %add3A_999 : vector<16xf32> to vector<1x16xf32>
            tpu.vector_store %arg10[%swap3A_1002, %swap3A_1003], %swap3A_1006 {strides = array<i32>} : memref<32x768xf32, #tpu.memory_space<vmem>>, vector<1x16xf32>,
            %mul3A_1007 = arith.mulf %gather3A_985, %get3A_935 : vector<16xf32>
            %add3A_1008 = arith.addf %get3A_885, %mul3A_1007 : vector<16xf32>
            %add3A_1009 = arith.constant 32 : i32
            %add3A_1010 = arith.addi %mul3A_864, %add3A_1009 : i32
            %swap3A_1011 = arith.index_cast %add3A_988 : i32 to index
            %swap3A_1012 = arith.index_cast %add3A_1010 : i32 to index
            %swap3A_1013 = tpu.vector_load %arg10[%swap3A_1011, %swap3A_1012] {strides = array<i32>} : memref<32x768xf32, #tpu.memory_space<vmem>>, vector<1x16xf32>,
            %swap3A_1014 = vector.shape_cast %swap3A_1013 : vector<1x16xf32> to vector<16xf32>
            %swap3A_1015 = vector.shape_cast %add3A_1008 : vector<16xf32> to vector<1x16xf32>
            tpu.vector_store %arg10[%swap3A_1011, %swap3A_1012], %swap3A_1015 {strides = array<i32>} : memref<32x768xf32, #tpu.memory_space<vmem>>, vector<1x16xf32>,
            %mul3A_1016 = arith.mulf %gather3A_985, %get3A_940 : vector<16xf32>
            %add3A_1017 = arith.addf %get3A_892, %mul3A_1016 : vector<16xf32>
            %add3A_1018 = arith.constant 48 : i32
            %add3A_1019 = arith.addi %mul3A_864, %add3A_1018 : i32
            %swap3A_1020 = arith.index_cast %add3A_988 : i32 to index
            %swap3A_1021 = arith.index_cast %add3A_1019 : i32 to index
            %swap3A_1022 = tpu.vector_load %arg10[%swap3A_1020, %swap3A_1021] {strides = array<i32>} : memref<32x768xf32, #tpu.memory_space<vmem>>, vector<1x16xf32>,
            %swap3A_1023 = vector.shape_cast %swap3A_1022 : vector<1x16xf32> to vector<16xf32>
            %swap3A_1024 = vector.shape_cast %add3A_1017 : vector<16xf32> to vector<1x16xf32>
            tpu.vector_store %arg10[%swap3A_1020, %swap3A_1021], %swap3A_1024 {strides = array<i32>} : memref<32x768xf32, #tpu.memory_space<vmem>>, vector<1x16xf32>,
            %mul3A_1025 = arith.mulf %gather3A_985, %get3A_945 : vector<16xf32>
            %add3A_1026 = arith.addf %get3A_899, %mul3A_1025 : vector<16xf32>
            %add3A_1027 = arith.constant 64 : i32
            %add3A_1028 = arith.addi %mul3A_864, %add3A_1027 : i32
            %swap3A_1029 = arith.index_cast %add3A_988 : i32 to index
            %swap3A_1030 = arith.index_cast %add3A_1028 : i32 to index
            %swap3A_1031 = tpu.vector_load %arg10[%swap3A_1029, %swap3A_1030] {strides = array<i32>} : memref<32x768xf32, #tpu.memory_space<vmem>>, vector<1x16xf32>,
            %swap3A_1032 = vector.shape_cast %swap3A_1031 : vector<1x16xf32> to vector<16xf32>
            %swap3A_1033 = vector.shape_cast %add3A_1026 : vector<16xf32> to vector<1x16xf32>
            tpu.vector_store %arg10[%swap3A_1029, %swap3A_1030], %swap3A_1033 {strides = array<i32>} : memref<32x768xf32, #tpu.memory_space<vmem>>, vector<1x16xf32>,
            %mul3A_1034 = arith.mulf %gather3A_985, %get3A_950 : vector<16xf32>
            %add3A_1035 = arith.addf %get3A_906, %mul3A_1034 : vector<16xf32>
            %add3A_1036 = arith.constant 80 : i32
            %add3A_1037 = arith.addi %mul3A_864, %add3A_1036 : i32
            %swap3A_1038 = arith.index_cast %add3A_988 : i32 to index
            %swap3A_1039 = arith.index_cast %add3A_1037 : i32 to index
            %swap3A_1040 = tpu.vector_load %arg10[%swap3A_1038, %swap3A_1039] {strides = array<i32>} : memref<32x768xf32, #tpu.memory_space<vmem>>, vector<1x16xf32>,
            %swap3A_1041 = vector.shape_cast %swap3A_1040 : vector<1x16xf32> to vector<16xf32>
            %swap3A_1042 = vector.shape_cast %add3A_1035 : vector<16xf32> to vector<1x16xf32>
            tpu.vector_store %arg10[%swap3A_1038, %swap3A_1039], %swap3A_1042 {strides = array<i32>} : memref<32x768xf32, #tpu.memory_space<vmem>>, vector<1x16xf32>,
            %mul3A_1043 = arith.mulf %gather3A_985, %get3A_955 : vector<16xf32>
            %add3A_1044 = arith.addf %get3A_913, %mul3A_1043 : vector<16xf32>
            %add3A_1045 = arith.constant 96 : i32
            %add3A_1046 = arith.addi %mul3A_864, %add3A_1045 : i32
            %swap3A_1047 = arith.index_cast %add3A_988 : i32 to index
            %swap3A_1048 = arith.index_cast %add3A_1046 : i32 to index
            %swap3A_1049 = tpu.vector_load %arg10[%swap3A_1047, %swap3A_1048] {strides = array<i32>} : memref<32x768xf32, #tpu.memory_space<vmem>>, vector<1x16xf32>,
            %swap3A_1050 = vector.shape_cast %swap3A_1049 : vector<1x16xf32> to vector<16xf32>
            %swap3A_1051 = vector.shape_cast %add3A_1044 : vector<16xf32> to vector<1x16xf32>
            tpu.vector_store %arg10[%swap3A_1047, %swap3A_1048], %swap3A_1051 {strides = array<i32>} : memref<32x768xf32, #tpu.memory_space<vmem>>, vector<1x16xf32>,
            %mul3A_1052 = arith.mulf %gather3A_985, %get3A_960 : vector<16xf32>
            %add3A_1053 = arith.addf %get3A_920, %mul3A_1052 : vector<16xf32>
            %add3A_1054 = arith.constant 112 : i32
            %add3A_1055 = arith.addi %mul3A_864, %add3A_1054 : i32
            %swap3A_1056 = arith.index_cast %add3A_988 : i32 to index
            %swap3A_1057 = arith.index_cast %add3A_1055 : i32 to index
            %swap3A_1058 = tpu.vector_load %arg10[%swap3A_1056, %swap3A_1057] {strides = array<i32>} : memref<32x768xf32, #tpu.memory_space<vmem>>, vector<1x16xf32>,
            %swap3A_1059 = vector.shape_cast %swap3A_1058 : vector<1x16xf32> to vector<16xf32>
            %swap3A_1060 = vector.shape_cast %add3A_1053 : vector<16xf32> to vector<1x16xf32>
            tpu.vector_store %arg10[%swap3A_1056, %swap3A_1057], %swap3A_1060 {strides = array<i32>} : memref<32x768xf32, #tpu.memory_space<vmem>>, vector<1x16xf32>,
          }
          %scan3A_982 = arith.constant 16 : i32
        }
        %scan3A_966 = arith.constant 2 : i32
      }
      %scan3A_828 = arith.constant 6 : i32
      %add3A_829 = arith.constant 2 : i32
      %add3A_830 = arith.addi %mul3A_775, %add3A_829 : i32
      %mul3A_831 = arith.constant 32 : i32
      %mul3A_832 = arith.muli %add3A_830, %mul3A_831 : i32
      %add3A_833 = arith.addi %mul3A_2, %mul3A_832 : i32
      %dma_start3A_834 = arith.constant 0 : i32
      %dma_start3A_835 = tpu.memref_slice %arg4[%add3A_833, %dma_start3A_834] : memref<32768x768xf32, #tpu.memory_space<hbm>> -> memref<32x768xf32, #tpu.memory_space<hbm>>
      %dma_start3A_836 = arith.constant 0 : i32
      %dma_start3A_837 = tpu.memref_slice %arg4[%add3A_833, %dma_start3A_836] : memref<32768x768xf32, #tpu.memory_space<hbm>> -> memref<32x768xf32, #tpu.memory_space<hbm>>
      tpu.enqueue_dma source(%arg10 : memref<32x768xf32, #tpu.memory_space<vmem>>) target(%dma_start3A_837 : memref<32x768xf32, #tpu.memory_space<hbm>>) target_semaphore(%arg14 : memref<!tpu.dma_semaphore, #tpu.memory_space<semaphore_mem>>)
      %gt3A_838 = arith.constant 0 : i32
      %gt3A_839 = arith.cmpi sgt, %scan3A_773, %gt3A_838 : i32
      %convert_element_type3A_840 = arith.extui %gt3A_839 : i1 to i32
      %cond3A_841 = arith.constant 0 : i32
      %cond3A_842 = arith.cmpi ne, %convert_element_type3A_840, %cond3A_841 : i32
      scf.if %cond3A_842 {
        %dma_wait3A_860 = arith.constant 0 : i32
        %dma_wait3A_861 = tpu.memref_slice %arg4[%mul3A_2, %dma_wait3A_860] : memref<32768x768xf32, #tpu.memory_space<hbm>> -> memref<32x768xf32, #tpu.memory_space<hbm>>
        %dma_wait3A_862 = arith.constant 0 : i32
        %dma_wait3A_863 = tpu.memref_slice %arg4[%mul3A_2, %dma_wait3A_862] : memref<32768x768xf32, #tpu.memory_space<hbm>> -> memref<32x768xf32, #tpu.memory_space<hbm>>
        tpu.wait_dma2 semaphore(%arg15 : memref<!tpu.dma_semaphore, #tpu.memory_space<semaphore_mem>>) src(%arg11 : memref<32x768xf32, #tpu.memory_space<vmem>>) dst(%dma_wait3A_863 : memref<32x768xf32, #tpu.memory_space<hbm>>)
      } else {
      }
      %add3A_843 = arith.constant 3 : i32
      %add3A_844 = arith.addi %mul3A_775, %add3A_843 : i32
      %scan3A_845 = arith.constant 0 : i32
      %scan3A_846 = arith.constant 0 : i32
      %scan3A_847 = arith.constant 6 : i32
      %scan3A_848 = arith.addi %scan3A_846, %scan3A_847 : i32
      %scan3A_849 = arith.constant 1 : i32
      scf.for %scan3A_860 = %scan3A_846 to %scan3A_848 step %scan3A_849  : i32 {
        %mul3A_861 = arith.constant 8 : i32
        %mul3A_862 = arith.muli %scan3A_860, %mul3A_861 : i32
        %mul3A_863 = arith.constant 16 : i32
        %mul3A_864 = arith.muli %mul3A_862, %mul3A_863 : i32
        %add3A_865 = arith.constant 0 : i32
        %add3A_866 = arith.addi %mul3A_864, %add3A_865 : i32
        %get3A_867 = arith.constant 0 : i32
        %get3A_868 = arith.index_cast %get3A_867 : i32 to index
        %get3A_869 = arith.index_cast %add3A_866 : i32 to index
        %get3A_870 = tpu.vector_load %arg6[%get3A_868, %get3A_869] {strides = array<i32>} : memref<2x768xf32, #tpu.memory_space<vmem>>, vector<1x16xf32>,
        %get3A_871 = vector.shape_cast %get3A_870 : vector<1x16xf32> to vector<16xf32>
        %add3A_872 = arith.constant 16 : i32
        %add3A_873 = arith.addi %mul3A_864, %add3A_872 : i32
        %get3A_874 = arith.constant 0 : i32
        %get3A_875 = arith.index_cast %get3A_874 : i32 to index
        %get3A_876 = arith.index_cast %add3A_873 : i32 to index
        %get3A_877 = tpu.vector_load %arg6[%get3A_875, %get3A_876] {strides = array<i32>} : memref<2x768xf32, #tpu.memory_space<vmem>>, vector<1x16xf32>,
        %get3A_878 = vector.shape_cast %get3A_877 : vector<1x16xf32> to vector<16xf32>
        %add3A_879 = arith.constant 32 : i32
        %add3A_880 = arith.addi %mul3A_864, %add3A_879 : i32
        %get3A_881 = arith.constant 0 : i32
        %get3A_882 = arith.index_cast %get3A_881 : i32 to index
        %get3A_883 = arith.index_cast %add3A_880 : i32 to index
        %get3A_884 = tpu.vector_load %arg6[%get3A_882, %get3A_883] {strides = array<i32>} : memref<2x768xf32, #tpu.memory_space<vmem>>, vector<1x16xf32>,
        %get3A_885 = vector.shape_cast %get3A_884 : vector<1x16xf32> to vector<16xf32>
        %add3A_886 = arith.constant 48 : i32
        %add3A_887 = arith.addi %mul3A_864, %add3A_886 : i32
        %get3A_888 = arith.constant 0 : i32
        %get3A_889 = arith.index_cast %get3A_888 : i32 to index
        %get3A_890 = arith.index_cast %add3A_887 : i32 to index
        %get3A_891 = tpu.vector_load %arg6[%get3A_889, %get3A_890] {strides = array<i32>} : memref<2x768xf32, #tpu.memory_space<vmem>>, vector<1x16xf32>,
        %get3A_892 = vector.shape_cast %get3A_891 : vector<1x16xf32> to vector<16xf32>
        %add3A_893 = arith.constant 64 : i32
        %add3A_894 = arith.addi %mul3A_864, %add3A_893 : i32
        %get3A_895 = arith.constant 0 : i32
        %get3A_896 = arith.index_cast %get3A_895 : i32 to index
        %get3A_897 = arith.index_cast %add3A_894 : i32 to index
        %get3A_898 = tpu.vector_load %arg6[%get3A_896, %get3A_897] {strides = array<i32>} : memref<2x768xf32, #tpu.memory_space<vmem>>, vector<1x16xf32>,
        %get3A_899 = vector.shape_cast %get3A_898 : vector<1x16xf32> to vector<16xf32>
        %add3A_900 = arith.constant 80 : i32
        %add3A_901 = arith.addi %mul3A_864, %add3A_900 : i32
        %get3A_902 = arith.constant 0 : i32
        %get3A_903 = arith.index_cast %get3A_902 : i32 to index
        %get3A_904 = arith.index_cast %add3A_901 : i32 to index
        %get3A_905 = tpu.vector_load %arg6[%get3A_903, %get3A_904] {strides = array<i32>} : memref<2x768xf32, #tpu.memory_space<vmem>>, vector<1x16xf32>,
        %get3A_906 = vector.shape_cast %get3A_905 : vector<1x16xf32> to vector<16xf32>
        %add3A_907 = arith.constant 96 : i32
        %add3A_908 = arith.addi %mul3A_864, %add3A_907 : i32
        %get3A_909 = arith.constant 0 : i32
        %get3A_910 = arith.index_cast %get3A_909 : i32 to index
        %get3A_911 = arith.index_cast %add3A_908 : i32 to index
        %get3A_912 = tpu.vector_load %arg6[%get3A_910, %get3A_911] {strides = array<i32>} : memref<2x768xf32, #tpu.memory_space<vmem>>, vector<1x16xf32>,
        %get3A_913 = vector.shape_cast %get3A_912 : vector<1x16xf32> to vector<16xf32>
        %add3A_914 = arith.constant 112 : i32
        %add3A_915 = arith.addi %mul3A_864, %add3A_914 : i32
        %get3A_916 = arith.constant 0 : i32
        %get3A_917 = arith.index_cast %get3A_916 : i32 to index
        %get3A_918 = arith.index_cast %add3A_915 : i32 to index
        %get3A_919 = tpu.vector_load %arg6[%get3A_917, %get3A_918] {strides = array<i32>} : memref<2x768xf32, #tpu.memory_space<vmem>>, vector<1x16xf32>,
        %get3A_920 = vector.shape_cast %get3A_919 : vector<1x16xf32> to vector<16xf32>
        %add3A_921 = arith.constant 0 : i32
        %add3A_922 = arith.addi %mul3A_864, %add3A_921 : i32
        %get3A_923 = arith.index_cast %add3A_922 : i32 to index
        %get3A_924 = tpu.vector_load %arg7[%get3A_923] {strides = array<i32>} : memref<768xf32, #tpu.memory_space<vmem>>, vector<16xf32>,
        %get3A_925 = vector.shape_cast %get3A_924 : vector<16xf32> to vector<16xf32>
        %add3A_926 = arith.constant 16 : i32
        %add3A_927 = arith.addi %mul3A_864, %add3A_926 : i32
        %get3A_928 = arith.index_cast %add3A_927 : i32 to index
        %get3A_929 = tpu.vector_load %arg7[%get3A_928] {strides = array<i32>} : memref<768xf32, #tpu.memory_space<vmem>>, vector<16xf32>,
        %get3A_930 = vector.shape_cast %get3A_929 : vector<16xf32> to vector<16xf32>
        %add3A_931 = arith.constant 32 : i32
        %add3A_932 = arith.addi %mul3A_864, %add3A_931 : i32
        %get3A_933 = arith.index_cast %add3A_932 : i32 to index
        %get3A_934 = tpu.vector_load %arg7[%get3A_933] {strides = array<i32>} : memref<768xf32, #tpu.memory_space<vmem>>, vector<16xf32>,
        %get3A_935 = vector.shape_cast %get3A_934 : vector<16xf32> to vector<16xf32>
        %add3A_936 = arith.constant 48 : i32
        %add3A_937 = arith.addi %mul3A_864, %add3A_936 : i32
        %get3A_938 = arith.index_cast %add3A_937 : i32 to index
        %get3A_939 = tpu.vector_load %arg7[%get3A_938] {strides = array<i32>} : memref<768xf32, #tpu.memory_space<vmem>>, vector<16xf32>,
        %get3A_940 = vector.shape_cast %get3A_939 : vector<16xf32> to vector<16xf32>
        %add3A_941 = arith.constant 64 : i32
        %add3A_942 = arith.addi %mul3A_864, %add3A_941 : i32
        %get3A_943 = arith.index_cast %add3A_942 : i32 to index
        %get3A_944 = tpu.vector_load %arg7[%get3A_943] {strides = array<i32>} : memref<768xf32, #tpu.memory_space<vmem>>, vector<16xf32>,
        %get3A_945 = vector.shape_cast %get3A_944 : vector<16xf32> to vector<16xf32>
        %add3A_946 = arith.constant 80 : i32
        %add3A_947 = arith.addi %mul3A_864, %add3A_946 : i32
        %get3A_948 = arith.index_cast %add3A_947 : i32 to index
        %get3A_949 = tpu.vector_load %arg7[%get3A_948] {strides = array<i32>} : memref<768xf32, #tpu.memory_space<vmem>>, vector<16xf32>,
        %get3A_950 = vector.shape_cast %get3A_949 : vector<16xf32> to vector<16xf32>
        %add3A_951 = arith.constant 96 : i32
        %add3A_952 = arith.addi %mul3A_864, %add3A_951 : i32
        %get3A_953 = arith.index_cast %add3A_952 : i32 to index
        %get3A_954 = tpu.vector_load %arg7[%get3A_953] {strides = array<i32>} : memref<768xf32, #tpu.memory_space<vmem>>, vector<16xf32>,
        %get3A_955 = vector.shape_cast %get3A_954 : vector<16xf32> to vector<16xf32>
        %add3A_956 = arith.constant 112 : i32
        %add3A_957 = arith.addi %mul3A_864, %add3A_956 : i32
        %get3A_958 = arith.index_cast %add3A_957 : i32 to index
        %get3A_959 = tpu.vector_load %arg7[%get3A_958] {strides = array<i32>} : memref<768xf32, #tpu.memory_space<vmem>>, vector<16xf32>,
        %get3A_960 = vector.shape_cast %get3A_959 : vector<16xf32> to vector<16xf32>
        %scan3A_961 = arith.constant 0 : i32
        %scan3A_962 = arith.constant 0 : i32
        %scan3A_963 = arith.constant 2 : i32
        %scan3A_964 = arith.addi %scan3A_962, %scan3A_963 : i32
        %scan3A_965 = arith.constant 1 : i32
        scf.for %scan3A_967 = %scan3A_962 to %scan3A_964 step %scan3A_965  : i32 {
          %mul3A_968 = arith.constant 32 : i32
          %mul3A_969 = arith.muli %add3A_844, %mul3A_968 : i32
          %mul3A_970 = arith.constant 16 : i32
          %mul3A_971 = arith.muli %scan3A_967, %mul3A_970 : i32
          %add3A_972 = arith.addi %mul3A_969, %mul3A_971 : i32
          %get3A_973 = arith.index_cast %add3A_972 : i32 to index
          %get3A_974 = tpu.vector_load %arg5[%get3A_973] {strides = array<i32>} : memref<1024xi32, #tpu.memory_space<vmem>>, vector<16xi32>,
          %get3A_975 = vector.shape_cast %get3A_974 : vector<16xi32> to vector<16xi32>
          %convert_element_type3A_976 = arith.sitofp %get3A_975 : vector<16xi32> to vector<16xf32>
          %scan3A_977 = arith.constant 0 : i32
          %scan3A_978 = arith.constant 0 : i32
          %scan3A_979 = arith.constant 16 : i32
          %scan3A_980 = arith.addi %scan3A_978, %scan3A_979 : i32
          %scan3A_981 = arith.constant 1 : i32
          scf.for %scan3A_983 = %scan3A_978 to %scan3A_980 step %scan3A_981  : i32 {
            %broadcast_in_dim3A = vector.broadcast %scan3A_983 : i32 to vector<16xi32>
            %broadcast_in_dim3A_984 = vector.shape_cast %broadcast_in_dim3A : vector<16xi32> to vector<16x1xi32>
            %gather3A = vector.shape_cast %broadcast_in_dim3A_984 : vector<16x1xi32> to vector<16xi32>
            %gather3A_985 = tpu.dynamic_gather %convert_element_type3A_976[%gather3A] in [0] : vector<16xf32>, vector<16xi32> -> vector<16xf32>
            %mul3A_986 = arith.constant 16 : i32
            %mul3A_987 = arith.muli %scan3A_967, %mul3A_986 : i32
            %add3A_988 = arith.addi %mul3A_987, %scan3A_983 : i32
            %mul3A_989 = arith.mulf %gather3A_985, %get3A_925 : vector<16xf32>
            %add3A_990 = arith.addf %get3A_871, %mul3A_989 : vector<16xf32>
            %add3A_991 = arith.constant 0 : i32
            %add3A_992 = arith.addi %mul3A_864, %add3A_991 : i32
            %swap3A_993 = arith.index_cast %add3A_988 : i32 to index
            %swap3A_994 = arith.index_cast %add3A_992 : i32 to index
            %swap3A_995 = tpu.vector_load %arg11[%swap3A_993, %swap3A_994] {strides = array<i32>} : memref<32x768xf32, #tpu.memory_space<vmem>>, vector<1x16xf32>,
            %swap3A_996 = vector.shape_cast %swap3A_995 : vector<1x16xf32> to vector<16xf32>
            %swap3A_997 = vector.shape_cast %add3A_990 : vector<16xf32> to vector<1x16xf32>
            tpu.vector_store %arg11[%swap3A_993, %swap3A_994], %swap3A_997 {strides = array<i32>} : memref<32x768xf32, #tpu.memory_space<vmem>>, vector<1x16xf32>,
            %mul3A_998 = arith.mulf %gather3A_985, %get3A_930 : vector<16xf32>
            %add3A_999 = arith.addf %get3A_878, %mul3A_998 : vector<16xf32>
            %add3A_1000 = arith.constant 16 : i32
            %add3A_1001 = arith.addi %mul3A_864, %add3A_1000 : i32
            %swap3A_1002 = arith.index_cast %add3A_988 : i32 to index
            %swap3A_1003 = arith.index_cast %add3A_1001 : i32 to index
            %swap3A_1004 = tpu.vector_load %arg11[%swap3A_1002, %swap3A_1003] {strides = array<i32>} : memref<32x768xf32, #tpu.memory_space<vmem>>, vector<1x16xf32>,
            %swap3A_1005 = vector.shape_cast %swap3A_1004 : vector<1x16xf32> to vector<16xf32>
            %swap3A_1006 = vector.shape_cast %add3A_999 : vector<16xf32> to vector<1x16xf32>
            tpu.vector_store %arg11[%swap3A_1002, %swap3A_1003], %swap3A_1006 {strides = array<i32>} : memref<32x768xf32, #tpu.memory_space<vmem>>, vector<1x16xf32>,
            %mul3A_1007 = arith.mulf %gather3A_985, %get3A_935 : vector<16xf32>
            %add3A_1008 = arith.addf %get3A_885, %mul3A_1007 : vector<16xf32>
            %add3A_1009 = arith.constant 32 : i32
            %add3A_1010 = arith.addi %mul3A_864, %add3A_1009 : i32
            %swap3A_1011 = arith.index_cast %add3A_988 : i32 to index
            %swap3A_1012 = arith.index_cast %add3A_1010 : i32 to index
            %swap3A_1013 = tpu.vector_load %arg11[%swap3A_1011, %swap3A_1012] {strides = array<i32>} : memref<32x768xf32, #tpu.memory_space<vmem>>, vector<1x16xf32>,
            %swap3A_1014 = vector.shape_cast %swap3A_1013 : vector<1x16xf32> to vector<16xf32>
            %swap3A_1015 = vector.shape_cast %add3A_1008 : vector<16xf32> to vector<1x16xf32>
            tpu.vector_store %arg11[%swap3A_1011, %swap3A_1012], %swap3A_1015 {strides = array<i32>} : memref<32x768xf32, #tpu.memory_space<vmem>>, vector<1x16xf32>,
            %mul3A_1016 = arith.mulf %gather3A_985, %get3A_940 : vector<16xf32>
            %add3A_1017 = arith.addf %get3A_892, %mul3A_1016 : vector<16xf32>
            %add3A_1018 = arith.constant 48 : i32
            %add3A_1019 = arith.addi %mul3A_864, %add3A_1018 : i32
            %swap3A_1020 = arith.index_cast %add3A_988 : i32 to index
            %swap3A_1021 = arith.index_cast %add3A_1019 : i32 to index
            %swap3A_1022 = tpu.vector_load %arg11[%swap3A_1020, %swap3A_1021] {strides = array<i32>} : memref<32x768xf32, #tpu.memory_space<vmem>>, vector<1x16xf32>,
            %swap3A_1023 = vector.shape_cast %swap3A_1022 : vector<1x16xf32> to vector<16xf32>
            %swap3A_1024 = vector.shape_cast %add3A_1017 : vector<16xf32> to vector<1x16xf32>
            tpu.vector_store %arg11[%swap3A_1020, %swap3A_1021], %swap3A_1024 {strides = array<i32>} : memref<32x768xf32, #tpu.memory_space<vmem>>, vector<1x16xf32>,
            %mul3A_1025 = arith.mulf %gather3A_985, %get3A_945 : vector<16xf32>
            %add3A_1026 = arith.addf %get3A_899, %mul3A_1025 : vector<16xf32>
            %add3A_1027 = arith.constant 64 : i32
            %add3A_1028 = arith.addi %mul3A_864, %add3A_1027 : i32
            %swap3A_1029 = arith.index_cast %add3A_988 : i32 to index
            %swap3A_1030 = arith.index_cast %add3A_1028 : i32 to index
            %swap3A_1031 = tpu.vector_load %arg11[%swap3A_1029, %swap3A_1030] {strides = array<i32>} : memref<32x768xf32, #tpu.memory_space<vmem>>, vector<1x16xf32>,
            %swap3A_1032 = vector.shape_cast %swap3A_1031 : vector<1x16xf32> to vector<16xf32>
            %swap3A_1033 = vector.shape_cast %add3A_1026 : vector<16xf32> to vector<1x16xf32>
            tpu.vector_store %arg11[%swap3A_1029, %swap3A_1030], %swap3A_1033 {strides = array<i32>} : memref<32x768xf32, #tpu.memory_space<vmem>>, vector<1x16xf32>,
            %mul3A_1034 = arith.mulf %gather3A_985, %get3A_950 : vector<16xf32>
            %add3A_1035 = arith.addf %get3A_906, %mul3A_1034 : vector<16xf32>
            %add3A_1036 = arith.constant 80 : i32
            %add3A_1037 = arith.addi %mul3A_864, %add3A_1036 : i32
            %swap3A_1038 = arith.index_cast %add3A_988 : i32 to index
            %swap3A_1039 = arith.index_cast %add3A_1037 : i32 to index
            %swap3A_1040 = tpu.vector_load %arg11[%swap3A_1038, %swap3A_1039] {strides = array<i32>} : memref<32x768xf32, #tpu.memory_space<vmem>>, vector<1x16xf32>,
            %swap3A_1041 = vector.shape_cast %swap3A_1040 : vector<1x16xf32> to vector<16xf32>
            %swap3A_1042 = vector.shape_cast %add3A_1035 : vector<16xf32> to vector<1x16xf32>
            tpu.vector_store %arg11[%swap3A_1038, %swap3A_1039], %swap3A_1042 {strides = array<i32>} : memref<32x768xf32, #tpu.memory_space<vmem>>, vector<1x16xf32>,
            %mul3A_1043 = arith.mulf %gather3A_985, %get3A_955 : vector<16xf32>
            %add3A_1044 = arith.addf %get3A_913, %mul3A_1043 : vector<16xf32>
            %add3A_1045 = arith.constant 96 : i32
            %add3A_1046 = arith.addi %mul3A_864, %add3A_1045 : i32
            %swap3A_1047 = arith.index_cast %add3A_988 : i32 to index
            %swap3A_1048 = arith.index_cast %add3A_1046 : i32 to index
            %swap3A_1049 = tpu.vector_load %arg11[%swap3A_1047, %swap3A_1048] {strides = array<i32>} : memref<32x768xf32, #tpu.memory_space<vmem>>, vector<1x16xf32>,
            %swap3A_1050 = vector.shape_cast %swap3A_1049 : vector<1x16xf32> to vector<16xf32>
            %swap3A_1051 = vector.shape_cast %add3A_1044 : vector<16xf32> to vector<1x16xf32>
            tpu.vector_store %arg11[%swap3A_1047, %swap3A_1048], %swap3A_1051 {strides = array<i32>} : memref<32x768xf32, #tpu.memory_space<vmem>>, vector<1x16xf32>,
            %mul3A_1052 = arith.mulf %gather3A_985, %get3A_960 : vector<16xf32>
            %add3A_1053 = arith.addf %get3A_920, %mul3A_1052 : vector<16xf32>
            %add3A_1054 = arith.constant 112 : i32
            %add3A_1055 = arith.addi %mul3A_864, %add3A_1054 : i32
            %swap3A_1056 = arith.index_cast %add3A_988 : i32 to index
            %swap3A_1057 = arith.index_cast %add3A_1055 : i32 to index
            %swap3A_1058 = tpu.vector_load %arg11[%swap3A_1056, %swap3A_1057] {strides = array<i32>} : memref<32x768xf32, #tpu.memory_space<vmem>>, vector<1x16xf32>,
            %swap3A_1059 = vector.shape_cast %swap3A_1058 : vector<1x16xf32> to vector<16xf32>
            %swap3A_1060 = vector.shape_cast %add3A_1053 : vector<16xf32> to vector<1x16xf32>
            tpu.vector_store %arg11[%swap3A_1056, %swap3A_1057], %swap3A_1060 {strides = array<i32>} : memref<32x768xf32, #tpu.memory_space<vmem>>, vector<1x16xf32>,
          }
          %scan3A_982 = arith.constant 16 : i32
        }
        %scan3A_966 = arith.constant 2 : i32
      }
      %scan3A_850 = arith.constant 6 : i32
      %add3A_851 = arith.constant 3 : i32
      %add3A_852 = arith.addi %mul3A_775, %add3A_851 : i32
      %mul3A_853 = arith.constant 32 : i32
      %mul3A_854 = arith.muli %add3A_852, %mul3A_853 : i32
      %add3A_855 = arith.addi %mul3A_2, %mul3A_854 : i32
      %dma_start3A_856 = arith.constant 0 : i32
      %dma_start3A_857 = tpu.memref_slice %arg4[%add3A_855, %dma_start3A_856] : memref<32768x768xf32, #tpu.memory_space<hbm>> -> memref<32x768xf32, #tpu.memory_space<hbm>>
      %dma_start3A_858 = arith.constant 0 : i32
      %dma_start3A_859 = tpu.memref_slice %arg4[%add3A_855, %dma_start3A_858] : memref<32768x768xf32, #tpu.memory_space<hbm>> -> memref<32x768xf32, #tpu.memory_space<hbm>>
      tpu.enqueue_dma source(%arg11 : memref<32x768xf32, #tpu.memory_space<vmem>>) target(%dma_start3A_859 : memref<32x768xf32, #tpu.memory_space<hbm>>) target_semaphore(%arg15 : memref<!tpu.dma_semaphore, #tpu.memory_space<semaphore_mem>>)
    }
    %scan3A_757 = arith.constant 8 : i32
    %dma_wait3A = arith.constant 0 : i32
    %dma_wait3A_758 = tpu.memref_slice %arg4[%mul3A_2, %dma_wait3A] : memref<32768x768xf32, #tpu.memory_space<hbm>> -> memref<32x768xf32, #tpu.memory_space<hbm>>
    %dma_wait3A_759 = arith.constant 0 : i32
    %dma_wait3A_760 = tpu.memref_slice %arg4[%mul3A_2, %dma_wait3A_759] : memref<32768x768xf32, #tpu.memory_space<hbm>> -> memref<32x768xf32, #tpu.memory_space<hbm>>
    tpu.wait_dma2 semaphore(%arg12 : memref<!tpu.dma_semaphore, #tpu.memory_space<semaphore_mem>>) src(%arg8 : memref<32x768xf32, #tpu.memory_space<vmem>>) dst(%dma_wait3A_760 : memref<32x768xf32, #tpu.memory_space<hbm>>)
    %dma_wait3A_761 = arith.constant 0 : i32
    %dma_wait3A_762 = tpu.memref_slice %arg4[%mul3A_2, %dma_wait3A_761] : memref<32768x768xf32, #tpu.memory_space<hbm>> -> memref<32x768xf32, #tpu.memory_space<hbm>>
    %dma_wait3A_763 = arith.constant 0 : i32
    %dma_wait3A_764 = tpu.memref_slice %arg4[%mul3A_2, %dma_wait3A_763] : memref<32768x768xf32, #tpu.memory_space<hbm>> -> memref<32x768xf32, #tpu.memory_space<hbm>>
    tpu.wait_dma2 semaphore(%arg13 : memref<!tpu.dma_semaphore, #tpu.memory_space<semaphore_mem>>) src(%arg9 : memref<32x768xf32, #tpu.memory_space<vmem>>) dst(%dma_wait3A_764 : memref<32x768xf32, #tpu.memory_space<hbm>>)
    %dma_wait3A_765 = arith.constant 0 : i32
    %dma_wait3A_766 = tpu.memref_slice %arg4[%mul3A_2, %dma_wait3A_765] : memref<32768x768xf32, #tpu.memory_space<hbm>> -> memref<32x768xf32, #tpu.memory_space<hbm>>
    %dma_wait3A_767 = arith.constant 0 : i32
    %dma_wait3A_768 = tpu.memref_slice %arg4[%mul3A_2, %dma_wait3A_767] : memref<32768x768xf32, #tpu.memory_space<hbm>> -> memref<32x768xf32, #tpu.memory_space<hbm>>
    tpu.wait_dma2 semaphore(%arg14 : memref<!tpu.dma_semaphore, #tpu.memory_space<semaphore_mem>>) src(%arg10 : memref<32x768xf32, #tpu.memory_space<vmem>>) dst(%dma_wait3A_768 : memref<32x768xf32, #tpu.memory_space<hbm>>)
    %dma_wait3A_769 = arith.constant 0 : i32
    %dma_wait3A_770 = tpu.memref_slice %arg4[%mul3A_2, %dma_wait3A_769] : memref<32768x768xf32, #tpu.memory_space<hbm>> -> memref<32x768xf32, #tpu.memory_space<hbm>>
    %dma_wait3A_771 = arith.constant 0 : i32
    %dma_wait3A_772 = tpu.memref_slice %arg4[%mul3A_2, %dma_wait3A_771] : memref<32768x768xf32, #tpu.memory_space<hbm>> -> memref<32x768xf32, #tpu.memory_space<hbm>>
    tpu.wait_dma2 semaphore(%arg15 : memref<!tpu.dma_semaphore, #tpu.memory_space<semaphore_mem>>) src(%arg11 : memref<32x768xf32, #tpu.memory_space<vmem>>) dst(%dma_wait3A_772 : memref<32x768xf32, #tpu.memory_space<hbm>>)
    return
  }
}

</mosaic_0001>

<sc_bundles>
// kernel: kernel.3.cloned.1.call-start
scs
__scs_entry_jumppad:
0x0: {  	(pc) =	sbr.rel $0x88, $3  }
0x1: {  	(tag) =	ssettag $0x0;
	lr =	simm.s32 $0x1  }
0x2: {  	[smem:$0x3F9F] =	sst lr;
	_ =	strace $0xD0000000  }
0x3: {  	_ = 	snop  }
0x4: {  	_ = 	snop  }
0x5: {  	_ = 	snop  }
0x6: {  	_ = 	snop  }
0x7: {  	_ = 	snop  }
__scs_overlays_trampoline_lowered:
0x8: {  	[smem:$0x3FAE] =	sst s0  }
0x9: {  	[smem:$0x3FAF] =	sst s1  }
0xa: {  	[smem:$0x3FB0] =	sst s2  }
0xb: {  	[smem:$0x3FB1] =	sst s3  }
0xc: {  	[smem:$0x3FB2] =	sst s4  }
0xd: {  	[smem:$0x3FB3] =	sst s5  }
0xe: {  	[smem:$0x3FB4] =	sst s6  }
0xf: {  	[smem:$0x3FB5] =	sst s7  }
0x10: {  	[smem:$0x3FB6] =	sst s8  }
0x11: {  	[smem:$0x3FB7] =	sst s9;
	s0 =	simm.s32 @!p0 $0x0  }
0x12: {  	s1 =	sld [smem:$0x3F9D];
	s0 =	simm.s32 @p0 $0x1  }
0x13: {  	[smem:$0x3FB8] =	sst s0;
	s0 =	simm.s32 @!p1 $0x0  }
0x14: {  	s2 =	sld [smem:$0x3F9C];
	s0 =	simm.s32 @p1 $0x1  }
0x15: {  	[smem:$0x3FB9] =	sst s0;
	s0 =	simm.s32 @!p2 $0x0  }
0x16: {  	s3 =	sld [smem:$0x3FDB];
	s0 =	simm.s32 @p2 $0x1  }
0x17: {  	s4 =	simm.s32 $0x1BF5;
	[smem:$0x3FBB] =	sst s0  }
0x18: {  	s0 =	sld [smem:$0x3F9E];
	_ =	swait.ge [sflag:s4], $0x0  }
0x19: {  	s7 =	sld [smem:$0x3F9F]  }
0x1a: {  	s8 =	sadd.s32 $0xFFFFE003, lr  }
0x1b: {  	s9 =	sadd.s32 $0xFFFFFEF7, lr;
	s5 =	simm.s32 $0xFFFFFFFF;
	p2 =	slt.u32 s8, $0xFFFFF086  }
0x1c: {  	p1 =	slt.u32 s9, $0xF7A;
	s5 =	simm.s32 @!p2 $0x0  }
0x1d: {  	s5 =	simm.s32 @p1 $0x1;
	p0 =	seq.s32 s7, s2  }
0x1e: {  	s7 =	smul.u32 @!p0 $0xF7A, s2;
	p2 =	seq.s32 @!p0 s5, $0x0  }
0x1f: {  	s9 =	smul.u32 $0xF7A, s1;
	s8 =	simm.s32 @!p0 $0x1BF5;
	p2 =	por !p2, p0  }
0x20: {  	[sflag:s8] =	ssyncset.s32 @!p0 $0xFFFFF086;
	s6 =	sadd.s32 @!p0 s3, s7;
	s7 =	simm.s32 @!p0 $0x108  }
0x21: {  	s3 =	sadd.s32 s3, s9;
	s6 =	sadd.s32 @!p0 $0x88, s6;
	s7 =	simm.s32 @p2 $0x1082  }
0x22: {  	[simem:s7], [sflag:s8] =	dma.local @!p0 [hbm:s6], $0xF7A  }
0x23: {  	s9 =	sor.u32 $0xD0000000, s2;
	s6 =	simm.s32 $0x108;
	_ =	swait.ge @!p0 [sflag:s8], $0x0  }
0x24: {  	s3 =	sadd.s32 $0x88, s3;
	s6 =	simm.s32 @!p1 $0x1082;
	[sflag:s4] =	ssyncset.s32 $0xFFFFF086  }
0x25: {  	[simem:s6], [sflag:s4] =	dma.local [hbm:s3], $0xF7A  }
0x26: {  	[smem:$0x3F9F] =	sst s1;
	(tag) =	ssettag s2;
	_ =	strace s9  }
0x27: {  	s1 =	sld [smem:$0x3FAF]  }
0x28: {  	s2 =	sld [smem:$0x3FB0]  }
0x29: {  	s4 =	sld [smem:$0x3FB2]  }
0x2a: {  	p0 =	seq.s32 s5, $0x0;
	s5 =	sld [smem:$0x3FB3]  }
0x2b: {  	s6 =	sld [smem:$0x3FB4]  }
0x2c: {  	s7 =	sld [smem:$0x3FB5]  }
0x2d: {  	s3 =	simm.s32 $0x108;
	s8 =	sld [smem:$0x3FB6]  }
0x2e: {  	s3 =	simm.s32 @!p0 $0x1082;
	s9 =	sld [smem:$0x3FB7]  }
0x2f: {  	lr =	sadd.s32 s0, s3;
	s0 =	sld [smem:$0x3FAE]  }
0x30: {  	s3 =	sld [smem:$0x3FB1]  }
0x31: {  	[smem:$0x3FBA] =	sst s10  }
0x32: {  	s10 =	sld [smem:$0x3FB8];
	_ =	sdelay $0x3  }
0x33: {  	p0 =	seq.s32 s10, $0x1;
	s10 =	sld [smem:$0x3FBA];
	_ =	sdelay $0x3  }
0x34: {  	[smem:$0x3FBA] =	sst s10  }
0x35: {  	s10 =	sld [smem:$0x3FB9];
	_ =	sdelay $0x3  }
0x36: {  	p1 =	seq.s32 s10, $0x1;
	s10 =	sld [smem:$0x3FBA];
	_ =	sdelay $0x3  }
0x37: {  	[smem:$0x3FBA] =	sst s10  }
0x38: {  	s10 =	sld [smem:$0x3FBB]  }
0x39: {  	_ = 	snop;
	(pc) =	sbr.ind lr, $3  }
0x3a: {  	_ = 	snop  }
0x3b: {  	_ = 	snop  }
0x3c: {  	p2 =	seq.s32 s10, $0x1;
	s10 =	sld [smem:$0x3FBA]  }
0x3d: {  	_ =	shalt  }
0x3e: {  	_ =	shalt  }
0x3f: {  	_ =	shalt  }
0x40: {  	_ =	shalt  }
0x41: {  	_ =	shalt  }
0x42: {  	_ =	shalt  }
0x43: {  	_ =	shalt  }
0x44: {  	_ =	shalt  }
0x45: {  	_ =	shalt  }
0x46: {  	_ =	shalt  }
0x47: {  	_ =	shalt  }
0x48: {  	_ =	shalt  }
0x49: {  	_ =	shalt  }
0x4a: {  	_ =	shalt  }
0x4b: {  	_ =	shalt  }
0x4c: {  	_ =	shalt  }
0x4d: {  	_ =	shalt  }
0x4e: {  	_ =	shalt  }
0x4f: {  	_ =	shalt  }
0x50: {  	_ =	shalt  }
0x51: {  	_ =	shalt  }
0x52: {  	_ =	shalt  }
0x53: {  	_ =	shalt  }
0x54: {  	_ =	shalt  }
0x55: {  	_ =	shalt  }
0x56: {  	_ =	shalt  }
0x57: {  	_ =	shalt  }
0x58: {  	_ =	shalt  }
0x59: {  	_ =	shalt  }
0x5a: {  	_ =	shalt  }
0x5b: {  	_ =	shalt  }
0x5c: {  	_ =	shalt  }
0x5d: {  	_ =	shalt  }
0x5e: {  	_ =	shalt  }
0x5f: {  	_ =	shalt  }
0x60: {  	_ =	shalt  }
0x61: {  	_ =	shalt  }
0x62: {  	_ =	shalt  }
0x63: {  	_ =	shalt  }
0x64: {  	_ =	shalt  }
0x65: {  	_ =	shalt  }
0x66: {  	_ =	shalt  }
0x67: {  	_ =	shalt  }
0x68: {  	_ =	shalt  }
0x69: {  	_ =	shalt  }
0x6a: {  	_ =	shalt  }
0x6b: {  	_ =	shalt  }
0x6c: {  	_ =	shalt  }
0x6d: {  	_ =	shalt  }
0x6e: {  	_ =	shalt  }
0x6f: {  	_ =	shalt  }
0x70: {  	_ =	shalt  }
0x71: {  	_ =	shalt  }
0x72: {  	_ =	shalt  }
0x73: {  	_ =	shalt  }
0x74: {  	_ =	shalt  }
0x75: {  	_ =	shalt  }
0x76: {  	_ =	shalt  }
0x77: {  	_ =	shalt  }
0x78: {  	_ =	shalt  }
0x79: {  	_ =	shalt  }
0x7a: {  	_ =	shalt  }
0x7b: {  	_ =	shalt  }
0x7c: {  	_ =	shalt  }
0x7d: {  	_ =	shalt  }
0x7e: {  	_ =	shalt  }
0x7f: {  	_ =	shalt  }
0x80: {  	_ =	shalt  }
0x81: {  	_ =	shalt  }
0x82: {  	_ =	shalt  }
0x83: {  	_ =	shalt  }
0x84: {  	_ =	shalt  }
0x85: {  	_ =	shalt  }
0x86: {  	_ =	shalt  }
0x87: {  	_ =	shalt  }
.Lfunc_end0:
.L_simem_size_0:
called_computation_lowered:
.L_overlay_start_0:
0x88: {  	s2 =	sld [smem:$0x3FD9]  }
0x89: {  	s3 =	sld [smem:$0x3FFE];
	_ =	sdelay $0x1  }
0x8a: {  	s1 =	srdreg.scid  }
0x8b: {  	s0 =	sand.u32 $0x1, s1  }
0x8c: {  	s18 =	sshll.u32 s0, $0xA;
	s2 =	sadd.s32 s3, s2  }
0x8d: {  	s2 =	sadd.s32 s2, s18  }
0x8e: {  	[smem:$0x3FC6] =	sst s2  }
0x8f: {  	_ = 	snop  }
0x90: {  	s2 =	sld [smem:$0x3FC9]  }
0x91: {  	s19 =	sld [smem:$0x3FC8]  }
0x92: {  	s4 =	sld [smem:$0x3FD0];
	(tm) =	ssettm $0x1  }
0x93: {  	s5 =	sld [smem:$0x3FFB];
	_ =	sdelay $0x3  }
0x94: {  	_ =	strace s5  }
0x95: {  	s5 =	sld [smem:$0x3FFC];
	_ =	sdelay $0x3  }
0x96: {  	_ =	strace s5  }
0x97: {  	s5 =	sld [smem:$0x3FFD];
	_ =	sdelay $0x3  }
0x98: {  	_ =	strace s5  }
0x99: {  	_ =	strace $0x8FFFFFFF  }
0x9a: {  	s20 =	sld [smem:$0x3FDB];
	_ =	sdelay $0x1  }
0x9b: {  	s6 =	simm.s32 $_scs_section_size  }
0x9c: {  	s7 =	simm.s32 $_size__tile_overlayer_lowered;
	s8 =	simm.s32 $_tile_overlayer_lowered  }
0x9d: {  	s23 =	simm.s32 $0x1BFF;
	s22 =	sshll.u32 s8, $0x1;
	s5 =	sadd.s32 s6, s20  }
0x9e: {  	s9 =	simm.s32 $0x0;
	s21 =	sshll.u32 s7, $0x1;
	s7 =	sadd.s32 s22, s5  }
0x9f: {  	[timem:s9], [sflag:s23] =	dma.local [hbm:s7], s21  }
0xa0: {  	_ =	swait.ge [sflag:s23], s21  }
0xa1: {  	s6 =	ssub.s32 $0x0, s21;
	[sflag:s23] =	ssyncset.done $0x0  }
0xa2: {  	[sflag:s23] =	ssyncadd.s32 s6;
	_ =	sdelay $0x1  }
0xa3: {  	s24 =	simm.s32 $0x1B8B  }
0xa4: {  	_ =	swait.ge [sflag:s24], $0x1  }
0xa5: {  	[sflag:s24] =	ssyncset.done $0x0  }
0xa6: {  	s25 =	simm.s32 $0x1B8E;
	[sflag:s24] =	ssyncadd.s32 $0xFFFFFFFF  }
0xa7: {  	s26 =	simm.s32 $execute0_lowered;
	[smem:$0x3FD2] =	sst s25  }
0xa8: {  	s6 =	sshll.u32 s26, $0x1;
	_ =	strace $0x80000046;
	[dreg:$0x1] =	wrdreg $0xFFFFFFFF  }
0xa9: {  	s28 =	simm.s32 $_size_execute0_lowered;
	s5 =	sadd.s32 s5, s6;
	[dreg:$0x0] =	wrdreg $0x0  }
0xaa: {  	s6 =	sshll.u32 s28, $0x1;
	[dreg:$0x2] =	wrdreg s5  }
0xab: {  	[dreg:$0x3] =	wrdreg s6  }
0xac: {  	[dreg:$0x4] =	wrdreg $0xC0  }
0xad: {  	_ =	task [dreg:s9], $0x5FFFF  }
0xae: {  	[dreg:$0x1] =	wrdreg $0xFFFFFFFF  }
0xaf: {  	[dreg:$0x0] =	wrdreg $0x60  }
0xb0: {  	[dreg:$0x2] =	wrdreg s2  }
0xb1: {  	[dreg:$0x3] =	wrdreg s19  }
0xb2: {  	[dreg:$0x4] =	wrdreg s4  }
0xb3: {  	[dreg:$0x5] =	wrdreg $0x9  }
0xb4: {  	_ =	task.clear_ibuf [dreg:s9], $0x6FFFF;
	_ =	strace $0x90000046  }
0xb5: {  	s29 =	simm.s32 $0x9;
	_ =	strace $0x80000048  }
0xb6: {  	_ =	swait.ge [sflag:s29], $0x1  }
0xb7: {  	[sflag:s29] =	ssyncadd.s32 $0xFFFFFFFF  }
0xb8: {  	_ =	strace $0x90000048  }
0xb9: {  	_ =	sfence  }
0xba: {  	s30 =	sld [smem:$0x0];
	_ =	sdelay $0x2  }
0xbb: {  	s31 =	sshll.u32 s1, $0xD;
	s1 =	sshrl.u32 s1, $0x2  }
0xbc: {  	s3 =	sand.u32 $0x4000, s31;
	s1 =	sadd.s32 s1, s30  }
0xbd: {  	s0 =	sor.u32 s3, s0;
	s1 =	sshll.u32 s1, $0x11  }
0xbe: {  	s0 =	sor.u32 s1, s0  }
0xbf: {  	s0 =	sadd.s32 $0x8F2B, s0  }
0xc0: {  	[sflag:s0] =	ssyncadd.remote.s32 $0x1  }
0xc1: {  	_ =	sfence.sel $0xFFFF  }
0xc2: {  	[dreg:$0x0] =	wrdreg $0xFFFFFFFF;
	(pc) =	sbr.abs _section_cstart, $3  }
0xc3: {  	[dreg:$0x1] =	wrdreg $0xFFFFFFFF  }
0xc4: {  	_ =	task.clear_ibuf [dreg:s9], $0x2FFFF;
	_ =	strace $0x9FFFFFFF  }
0xc5: {  	(tm) =	ssettm $0x7FFFFFFF  }
tec
execute0_lowered:
.L_overlay_start_1:
0x0: {  	(tag) =	ssettag $0x1  }
0x1: {  	s0 =	rddreg [dreg:$0x0]  }
0x2: {  	s2 =	rddreg [dreg:$0x2];
	s4 =	simm.s32 $0x0;
	s5 =	srdreg.scid  }
0x3: {  	s1 =	stileid.u32;
	s9 =	simm.s32 $0x5;
	s10 =	simm.s32 $0x80  }
0x4: {  	s11 =	simm.s32 $0x200;
	s12 =	simm.s32 $0xD00;
	s13 =	simm.s32 $0x6D00  }
0x5: {  	s14 =	simm.s32 $0xCD00;
	s15 =	simm.s32 $0x12D00;
	s16 =	simm.s32 $0x1  }
0x6: {  	s17 =	simm.s32 $0x2;
	s18 =	simm.s32 $0x3;
	s19 =	simm.s32 $0x4  }
0x7: {  	s20 =	simm.s32 $0x0;
	[smem:$0x7FF] =	sst s4;
	s5 =	sand.u32 $0x1, s5  }
0x8: {  	s7 =	sshll.u32 s1, $0x1;
	s30 =	sshll.u32 s1, $0x2;
	_ =	strace $0x80000047  }
0x9: {  	s6 =	ssub.s32 $0x2, s5;
	s5 =	sor.u32 s5, s7;
	s7 =	sand.u32 $0x30, s30  }
0xa: {  	s8 =	sshrl.u32 s6, $0x1;
	s31 =	sshll.u32 s5, $0x9;
	s5 =	sshll.u32 s5, $0xA  }
0xb: {  	s0 =	sadd.s32 s0, s7;
	s8 =	ssub.s32 s6, s8;
	s6 =	sand.u32 $0xE00, s31  }
0xc: {  	s6 =	sadd.s32 s6, s0;
	s7 =	smax.u32 s8, $0x1;
	s8 =	simm.s32 $0x400  }
.LBB2_1:
0xd: {  	s0 =	rddreg [dreg:$0x1]  }
0xe: {  	[tilespmem:s8], [sflag:$0x5] =	stream.linear.gather [hbm4b:s0+s4], $0x600, $0x38;
	[tilespmem:$0x18D00] =	vst v63  }
0xf: {  	_ =	swait.ge [sflag:s9], $0x600  }
0x10: {  	[sflag:s9] =	ssyncset.done $0x0  }
0x11: {  	[sflag:s9] =	ssyncadd.s32 $0xFFFFFA00  }
0x12: {  	[tilespmem:s4], [sflag:$0x5] =	stream.strided.gather [hbm4b:s6+s10], $0x400, s11, s10, $0x38;
	[tilespmem:$0x18D00] =	vst v63  }
0x13: {  	_ =	swait.ge [sflag:s9], $0x400  }
0x14: {  	[sflag:s9] =	ssyncset.done $0x0  }
0x15: {  	[sflag:s9] =	ssyncadd.s32 $0xFFFFFC00  }
0x16: {  	v0 =	vld [tilespmem:$0x480]  }
0x17: {  	v1 =	vld [tilespmem:$0x400]  }
0x18: {  	v2 =	vld [tilespmem:$0x490]  }
0x19: {  	v3 =	vld [tilespmem:$0x410]  }
0x1a: {  	v4 =	vld [tilespmem:$0x4A0]  }
0x1b: {  	v5 =	vld [tilespmem:$0x420]  }
0x1c: {  	v6 =	vld [tilespmem:$0x4B0]  }
0x1d: {  	v7 =	vld [tilespmem:$0x430]  }
0x1e: {  	v8 =	vld [tilespmem:$0x4C0]  }
0x1f: {  	v9 =	vld [tilespmem:$0x440]  }
0x20: {  	v10 =	vld [tilespmem:$0x4D0]  }
0x21: {  	v11 =	vld [tilespmem:$0x450]  }
0x22: {  	v12 =	vld [tilespmem:$0x4E0]  }
0x23: {  	v13 =	vld [tilespmem:$0x460]  }
0x24: {  	v14 =	vld [tilespmem:$0x4F0]  }
0x25: {  	v15 =	vld [tilespmem:$0x470]  }
0x26: {  	v16 =	vld [tilespmem:$0x580]  }
0x27: {  	v17 =	vld [tilespmem:$0x500]  }
0x28: {  	v18 =	vld [tilespmem:$0x590]  }
0x29: {  	v19 =	vld [tilespmem:$0x510]  }
0x2a: {  	v20 =	vld [tilespmem:$0x5A0]  }
0x2b: {  	v21 =	vld [tilespmem:$0x520]  }
0x2c: {  	v22 =	vld [tilespmem:$0x5B0]  }
0x2d: {  	v23 =	vld [tilespmem:$0x530]  }
0x2e: {  	v24 =	vld [tilespmem:$0x5C0]  }
0x2f: {  	v25 =	vld [tilespmem:$0x540]  }
0x30: {  	v26 =	vld [tilespmem:$0x5D0]  }
0x31: {  	v27 =	vld [tilespmem:$0x550]  }
0x32: {  	v28 =	vld [tilespmem:$0x5E0]  }
0x33: {  	v29 =	vld [tilespmem:$0x560]  }
0x34: {  	v30 =	vld [tilespmem:$0x5F0]  }
0x35: {  	v31 =	vld [tilespmem:$0x570]  }
0x36: {  	v32 =	vld [tilespmem:$0x680]  }
0x37: {  	v33 =	vld [tilespmem:$0x600]  }
0x38: {  	v34 =	vld [tilespmem:$0x690]  }
0x39: {  	v35 =	vld [tilespmem:$0x610]  }
0x3a: {  	v36 =	vld [tilespmem:$0x6A0]  }
0x3b: {  	v37 =	vld [tilespmem:$0x620]  }
0x3c: {  	v38 =	vld [tilespmem:$0x6B0]  }
0x3d: {  	v39 =	vld [tilespmem:$0x630]  }
0x3e: {  	v40 =	vld [tilespmem:$0x6C0]  }
0x3f: {  	v41 =	vld [tilespmem:$0x640]  }
0x40: {  	v42 =	vld [tilespmem:$0x6D0]  }
0x41: {  	v43 =	vld [tilespmem:$0x650]  }
0x42: {  	v44 =	vld [tilespmem:$0x6E0]  }
0x43: {  	v45 =	vld [tilespmem:$0x660]  }
0x44: {  	v46 =	vld [tilespmem:$0x6F0]  }
0x45: {  	v47 =	vld [tilespmem:$0x670]  }
0x46: {  	v48 =	vld [tilespmem:$0x780]  }
0x47: {  	v49 =	vld [tilespmem:$0x700]  }
0x48: {  	v50 =	vld [tilespmem:$0x790]  }
0x49: {  	v51 =	vld [tilespmem:$0x710]  }
0x4a: {  	v52 =	vld [tilespmem:$0x7A0]  }
0x4b: {  	v53 =	vld [tilespmem:$0x8D0];
	v0 =	vsub.f32 v0, v1  }
0x4c: {  	v55 =	vld [tilespmem:$0x850];
	v2 =	vsub.f32 v2, v3  }
0x4d: {  	v57 =	vld [tilespmem:$0x8E0];
	v60 =	vsub.f32 v4, v5;
	[tilespmem:$0xA00] =	vst v0  }
0x4e: {  	v59 =	vld [tilespmem:$0x860];
	v61 =	vsub.f32 v6, v7;
	[tilespmem:$0xA10] =	vst v2  }
0x4f: {  	v1 =	vld [tilespmem:$0x720];
	v62 =	vsub.f32 v8, v9;
	[tilespmem:$0xA20] =	vst v60  }
0x50: {  	v3 =	vld [tilespmem:$0x7B0];
	v63 =	vsub.f32 v10, v11;
	[tilespmem:$0xA30] =	vst v61  }
0x51: {  	v4 =	vld [tilespmem:$0x730];
	v13 =	vsub.f32 v12, v13;
	[tilespmem:$0xA40] =	vst v62  }
0x52: {  	v5 =	vld [tilespmem:$0x7C0];
	v15 =	vsub.f32 v14, v15;
	[tilespmem:$0xA50] =	vst v63  }
0x53: {  	v6 =	vld [tilespmem:$0x740];
	v17 =	vsub.f32 v16, v17;
	[tilespmem:$0xA60] =	vst v13  }
0x54: {  	v7 =	vld [tilespmem:$0x7D0];
	v19 =	vsub.f32 v18, v19;
	[tilespmem:$0xA70] =	vst v15  }
0x55: {  	v8 =	vld [tilespmem:$0x750];
	v21 =	vsub.f32 v20, v21;
	[tilespmem:$0xA80] =	vst v17  }
0x56: {  	v9 =	vld [tilespmem:$0x7E0];
	v23 =	vsub.f32 v22, v23;
	[tilespmem:$0xA90] =	vst v19  }
0x57: {  	v10 =	vld [tilespmem:$0x760];
	v25 =	vsub.f32 v24, v25;
	[tilespmem:$0xAA0] =	vst v21  }
0x58: {  	v11 =	vld [tilespmem:$0x7F0];
	v27 =	vsub.f32 v26, v27;
	[tilespmem:$0xAB0] =	vst v23  }
0x59: {  	v12 =	vld [tilespmem:$0x770];
	v29 =	vsub.f32 v28, v29;
	[tilespmem:$0xAC0] =	vst v25  }
0x5a: {  	v14 =	vld [tilespmem:$0x800];
	v31 =	vsub.f32 v30, v31;
	[tilespmem:$0xAD0] =	vst v27  }
0x5b: {  	v16 =	vld [tilespmem:$0x810];
	v33 =	vsub.f32 v32, v33;
	[tilespmem:$0xAE0] =	vst v29  }
0x5c: {  	v18 =	vld [tilespmem:$0x820];
	v35 =	vsub.f32 v34, v35;
	[tilespmem:$0xAF0] =	vst v31  }
0x5d: {  	v37 =	vsub.f32 v36, v37;
	v20 =	vld [tilespmem:$0x830];
	[tilespmem:$0xB00] =	vst v33  }
0x5e: {  	v39 =	vsub.f32 v38, v39;
	v22 =	vld [tilespmem:$0x840];
	[tilespmem:$0xB10] =	vst v35  }
0x5f: {  	v41 =	vsub.f32 v40, v41;
	v54 =	vsub.f32 v44, v45;
	v45 =	vld [tilespmem:$0x9C0];
	[tilespmem:$0xB20] =	vst v37  }
0x60: {  	v43 =	vsub.f32 v42, v43;
	v56 =	vsub.f32 v46, v47;
	v47 =	vld [tilespmem:$0x940];
	[tilespmem:$0xB30] =	vst v39  }
0x61: {  	v58 =	vsub.f32 v48, v49;
	v49 =	vld [tilespmem:$0x9D0];
	[tilespmem:$0xB40] =	vst v41  }
0x62: {  	v13 =	vld [tilespmem:$0x880];
	[tilespmem:$0xB50] =	vst v43  }
0x63: {  	v15 =	vld [tilespmem:$0x890];
	[tilespmem:$0xB60] =	vst v54  }
0x64: {  	v48 =	vsub.f32 v53, v55;
	v17 =	vld [tilespmem:$0x8A0];
	[tilespmem:$0xB70] =	vst v56  }
0x65: {  	v19 =	vld [tilespmem:$0x8B0];
	v60 =	vsub.f32 v50, v51;
	[tilespmem:$0xB80] =	vst v58  }
0x66: {  	v21 =	vld [tilespmem:$0x8C0];
	v50 =	vsub.f32 v57, v59;
	[tilespmem:$0xC50] =	vst v48  }
0x67: {  	v61 =	vld [tilespmem:$0x8F0];
	[tilespmem:$0xB90] =	vst v60;
	v62 =	vsub.f32 v52, v1  }
0x68: {  	v63 =	vld [tilespmem:$0x870];
	[tilespmem:$0xC60] =	vst v50;
	v28 =	vsub.f32 v3, v4  }
0x69: {  	v29 =	vld [tilespmem:$0x980];
	v30 =	vsub.f32 v5, v6;
	[tilespmem:$0xBA0] =	vst v62  }
0x6a: {  	v31 =	vld [tilespmem:$0x900];
	v32 =	vsub.f32 v7, v8;
	[tilespmem:$0xBB0] =	vst v28  }
0x6b: {  	v33 =	vld [tilespmem:$0x990];
	v34 =	vsub.f32 v9, v10;
	[tilespmem:$0xBC0] =	vst v30  }
0x6c: {  	v35 =	vld [tilespmem:$0x910];
	v36 =	vsub.f32 v11, v12;
	[tilespmem:$0xBD0] =	vst v32  }
0x6d: {  	v37 =	vld [tilespmem:$0x9A0];
	v60 =	vsub.f32 v45, v47;
	[tilespmem:$0xBE0] =	vst v34  }
0x6e: {  	v39 =	vld [tilespmem:$0x920];
	v38 =	vsub.f32 v13, v14;
	[tilespmem:$0xBF0] =	vst v36  }
0x6f: {  	v41 =	vld [tilespmem:$0x9B0];
	v40 =	vsub.f32 v15, v16;
	[tilespmem:$0xCC0] =	vst v60  }
0x70: {  	v43 =	vld [tilespmem:$0x930];
	v42 =	vsub.f32 v17, v18;
	[tilespmem:$0xC00] =	vst v38  }
0x71: {  	v51 =	vld [tilespmem:$0x950];
	v44 =	vsub.f32 v19, v20;
	[tilespmem:$0xC10] =	vst v40  }
0x72: {  	v54 =	vld [tilespmem:$0x960];
	v46 =	vsub.f32 v21, v22;
	[tilespmem:$0xC20] =	vst v42  }
0x73: {  	v56 =	vld [tilespmem:$0x9F0];
	v1 =	vsub.f32 v61, v63;
	[tilespmem:$0xC30] =	vst v44  }
0x74: {  	v58 =	vld [tilespmem:$0x970];
	v53 =	vsub.f32 v29, v31;
	[tilespmem:$0xC40] =	vst v46  }
0x75: {  	v52 =	vld [tilespmem:$0x9E0];
	v55 =	vsub.f32 v33, v35;
	[tilespmem:$0xC70] =	vst v1  }
0x76: {  	v57 =	vsub.f32 v37, v39;
	[tilespmem:$0xC80] =	vst v53  }
0x77: {  	v59 =	vsub.f32 v41, v43;
	[tilespmem:$0xC90] =	vst v55  }
0x78: {  	v61 =	vsub.f32 v49, v51;
	[tilespmem:$0xCA0] =	vst v57  }
0x79: {  	v63 =	vsub.f32 v56, v58;
	[tilespmem:$0xCB0] =	vst v59  }
0x7a: {  	[tilespmem:$0xCD0] =	vst v61;
	v62 =	vsub.f32 v52, v54  }
0x7b: {  	[tilespmem:$0xCF0] =	vst v63  }
0x7c: {  	s21 =	simm.s32 $0x0;
	[tilespmem:$0xCE0] =	vst v62  }
.LBB2_2:
0x7d: {  	p0 =	seq.s32 s21, $0x0  }
0x7e: {  	s0 =	simm.s32 @!p0 $0x1  }
0x7f: {  	s22 =	sshll.u32 s21, $0x2;
	_ =	swait.ge @!p0 [sflag:s0], $0x6000  }
0x80: {  	s23 =	sshll.u32 s21, $0x7;
	s25 =	simm.s32 $0x0;
	[sflag:s0] =	ssyncset.done @!p0 $0x0  }
0x81: {  	s26 =	simm.s32 $0x0;
	s24 =	sand.u32 $0x3FFFFF80, s23;
	[sflag:s0] =	ssyncadd.s32 @!p0 $0xFFFFA000  }
.LBB2_3:
0x82: {  	s0 =	sshll.u32 s26, $0xA  }
0x83: {  	v5 =	vld [tilespmem:s24+$0x0];
	s29 =	sshra.s32 s0, $0x2  }
0x84: {  	v3 =	vld [tilespmem:s29+$0x400]  }
0x85: {  	v2 =	vld [tilespmem:s29+$0x410]  }
0x86: {  	v1 =	vld [tilespmem:s29+$0x420]  }
0x87: {  	s28 =	sshll.u32 s26, $0x7;
	v0 =	vld [tilespmem:s29+$0x430]  }
0x88: {  	s28 =	sand.u32 $0x3FFFFF80, s28;
	v4 =	vld [tilespmem:s29+$0x470]  }
0x89: {  	v14 =	vld [tilespmem:s28+$0xA00]  }
0x8a: {  	v12 =	vld [tilespmem:s28+$0xA10]  }
0x8b: {  	v10 =	vld [tilespmem:s28+$0xA20]  }
0x8c: {  	v15 =	vld [tilespmem:s28+$0xA70]  }
0x8d: {  	v9 =	vld [tilespmem:s28+$0xA30];
	v16 =	vcvt.s32.f32 v5  }
0x8e: {  	v6 =	vmov s25;
	v8 =	vld [tilespmem:s28+$0xA40]  }
0x8f: {  	v7 =	vld [tilespmem:s29+$0x440];
	v17 =	vperm.xlane v16, v6  }
0x90: {  	s30 =	simm.s32 $0x0;
	v5 =	vld [tilespmem:s28+$0xA50]  }
0x91: {  	s30 =	smul.u32 $0x6000, s30;
	v6 =	vld [tilespmem:s28+$0xA60];
	v13 =	vmul.f32 v17, v15  }
0x92: {  	s0 =	sand.u32 $0x3FFFFC00, s0;
	v11 =	vld [tilespmem:s29+$0x450]  }
0x93: {  	s3 =	sshra.s32 s30, $0x2;
	s28 =	sadd.s32 $0xD00, s0;
	v18 =	vmul.f32 v17, v14;
	v19 =	vmul.f32 v17, v12;
	v23 =	vadd.f32 v13, v4;
	v13 =	vld [tilespmem:s29+$0x460]  }
0x94: {  	s30 =	sand.u32 $0x380, s25;
	s0 =	sadd.s32 s3, s28;
	v20 =	vmul.f32 v17, v10;
	v21 =	vmul.f32 v17, v9  }
0x95: {  	v24 =	vmul.f32 v17, v8;
	v25 =	vadd.f32 v18, v3;
	s29 =	sadd.s32 s30, s0;
	v18 =	vmul.f32 v17, v5  }
0x96: {  	s31 =	simm.s32 $0x1;
	v22 =	vadd.f32 v19, v2;
	v20 =	vadd.f32 v20, v1;
	v17 =	vmul.f32 v17, v6;
	[tilespmem:s29+$0x70] =	vst v23  }
0x97: {  	s0 =	simm.s32 $0x2;
	v21 =	vadd.f32 v21, v0;
	v19 =	vadd.f32 v24, v7;
	s30 =	simm.s32 $0x0;
	v23 =	vmov s31;
	[tilespmem:s29+$0x0] =	vst v25  }
.LBB2_4:
0x98: {  	p1 =	sne.s32 s0, $0xF;
	v23 =	vperm.xlane v16, v23;
	s3 =	sshrl.u32 s31, $0x3;
	[tilespmem:s29+$0x10] =	vst v22;
	v18 =	vadd.f32 v18, v11;
	v22 =	vadd.f32 v17, v13;
	s31 =	smov.u32 s0  }
0x99: {  	s3 =	smul.u32 $0x6000, s3;
	[tilespmem:s29+$0x20] =	vst v20  }
0x9a: {  	v17 =	vmul.f32 v23, v14;
	v20 =	vmul.f32 v23, v15;
	[tilespmem:s29+$0x30] =	vst v21  }
.Ltmp0:
0x9b: {  	s30 =	sadd.s32 $0x80, s30;
	v21 =	vmul.f32 v23, v12;
	v24 =	vmul.f32 v23, v10;
	s3 =	sshra.s32 s3, $0x2;
	[tilespmem:s29+$0x40] =	vst v19;
	(pc) =	sbr.rel @p1 .LBB2_4-.Ltmp0, $4  }
0x9c: {  	s1 =	sand.u32 $0x380, s30;
	v25 =	vmul.f32 v23, v8;
	v19 =	vmul.f32 v23, v9;
	s3 =	sadd.s32 s3, s28;
	v26 =	vadd.f32 v20, v4;
	[tilespmem:s29+$0x50] =	vst v18  }
0x9d: {  	v27 =	vadd.f32 v17, v3;
	v18 =	vmul.f32 v23, v5;
	v17 =	vmul.f32 v23, v6;
	[tilespmem:s29+$0x60] =	vst v22;
	s29 =	sadd.s32 s1, s3  }
0x9e: {  	v20 =	vadd.f32 v24, v1;
	v22 =	vadd.f32 v21, v2;
	[tilespmem:s29+$0x70] =	vst v26  }
0x9f: {  	s0 =	sadd.s32 $0x1, s0;
	v23 =	vmov s31;
	v21 =	vadd.f32 v19, v0;
	v19 =	vadd.f32 v25, v7;
	[tilespmem:s29+$0x0] =	vst v27  }
0xa0: {  	v16 =	vperm.xlane v16, v23;
	s0 =	sshrl.u32 s31, $0x3;
	[tilespmem:s29+$0x10] =	vst v22  }
0xa1: {  	[tilespmem:s29+$0x20] =	vst v20;
	s0 =	smul.u32 $0x6000, s0  }
0xa2: {  	v18 =	vadd.f32 v18, v11;
	[tilespmem:s29+$0x30] =	vst v21;
	v20 =	vmul.f32 v16, v15  }
0xa3: {  	v17 =	vadd.f32 v17, v13;
	s1 =	sadd.s32 $0x80, s30;
	[tilespmem:s29+$0x40] =	vst v19;
	v21 =	vmul.f32 v16, v14;
	s0 =	sshra.s32 s0, $0x2  }
0xa4: {  	s1 =	sand.u32 $0x380, s1;
	v19 =	vmul.f32 v16, v12;
	[tilespmem:s29+$0x50] =	vst v18;
	s0 =	sadd.s32 s0, s28;
	v20 =	vadd.f32 v20, v4  }
0xa5: {  	v18 =	vmul.f32 v16, v10;
	[tilespmem:s29+$0x60] =	vst v17;
	v21 =	vadd.f32 v21, v3;
	s0 =	sadd.s32 s1, s0  }
0xa6: {  	v17 =	vmul.f32 v16, v9;
	v19 =	vadd.f32 v19, v2;
	[tilespmem:s0+$0x70] =	vst v20  }
0xa7: {  	v18 =	vadd.f32 v18, v1;
	v20 =	vmul.f32 v16, v8;
	[tilespmem:s0+$0x0] =	vst v21  }
0xa8: {  	v17 =	vadd.f32 v17, v0;
	v21 =	vmul.f32 v16, v5;
	[tilespmem:s0+$0x10] =	vst v19  }
0xa9: {  	v16 =	vmul.f32 v16, v6;
	[tilespmem:s0+$0x20] =	vst v18;
	v19 =	vadd.f32 v20, v7  }
0xaa: {  	[tilespmem:s0+$0x30] =	vst v17;
	v18 =	vadd.f32 v21, v11  }
0xab: {  	v16 =	vadd.f32 v16, v13;
	[tilespmem:s0+$0x40] =	vst v19  }
0xac: {  	[tilespmem:s0+$0x50] =	vst v18  }
0xad: {  	[tilespmem:s0+$0x60] =	vst v16  }
0xae: {  	v16 =	vld [tilespmem:s24+$0x10];
	_ =	sdelay $0x4  }
0xaf: {  	s29 =	simm.s32 $0x0;
	v16 =	vcvt.s32.f32 v16  }
0xb0: {  	s1 =	simm.s32 $0x0;
	v17 =	vmov s29  }
0xb1: {  	s0 =	sor.u32 $0x2, s1;
	v17 =	vperm.xlane v16, v17  }
0xb2: {  	s0 =	smul.u32 $0x6000, s0  }
0xb3: {  	v18 =	vmul.f32 v17, v15  }
0xb4: {  	s0 =	sshra.s32 s0, $0x2;
	v19 =	vmul.f32 v17, v14;
	v20 =	vmul.f32 v17, v12  }
0xb5: {  	s3 =	sand.u32 $0x380, s29;
	s0 =	sadd.s32 s0, s28;
	v22 =	vmul.f32 v17, v10;
	v24 =	vmul.f32 v17, v9;
	v23 =	vadd.f32 v18, v4  }
0xb6: {  	s30 =	sadd.s32 s3, s0;
	v25 =	vmul.f32 v17, v8;
	v19 =	vadd.f32 v19, v3;
	v18 =	vmul.f32 v17, v5  }
0xb7: {  	s3 =	simm.s32 $0x1;
	v17 =	vmul.f32 v17, v6;
	v21 =	vadd.f32 v20, v2;
	v20 =	vadd.f32 v22, v1;
	[tilespmem:s30+$0x70] =	vst v23  }
0xb8: {  	s31 =	simm.s32 $0x0;
	s0 =	simm.s32 $0x2;
	v22 =	vadd.f32 v24, v0;
	v23 =	vmov s3;
	[tilespmem:s30+$0x0] =	vst v19;
	v19 =	vadd.f32 v25, v7  }
.LBB2_6:
0xb9: {  	p1 =	sne.s32 s0, $0xF;
	v23 =	vperm.xlane v16, v23;
	s1 =	sor.u32 $0x2, s31;
	[tilespmem:s30+$0x10] =	vst v21;
	v18 =	vadd.f32 v18, v11;
	v21 =	vadd.f32 v17, v13  }
0xba: {  	s1 =	smul.u32 $0x6000, s1;
	[tilespmem:s30+$0x20] =	vst v20  }
0xbb: {  	v17 =	vmul.f32 v23, v14;
	v20 =	vmul.f32 v23, v15;
	[tilespmem:s30+$0x30] =	vst v22  }
.Ltmp1:
0xbc: {  	s29 =	sadd.s32 $0x80, s29;
	v22 =	vmul.f32 v23, v12;
	v24 =	vmul.f32 v23, v10;
	s1 =	sshra.s32 s1, $0x2;
	[tilespmem:s30+$0x40] =	vst v19;
	(pc) =	sbr.rel @p1 .LBB2_6-.Ltmp1, $4  }
0xbd: {  	s3 =	sand.u32 $0x380, s29;
	v25 =	vmul.f32 v23, v8;
	v19 =	vmul.f32 v23, v9;
	s1 =	sadd.s32 s1, s28;
	v26 =	vadd.f32 v20, v4;
	[tilespmem:s30+$0x50] =	vst v18  }
0xbe: {  	v27 =	vadd.f32 v17, v3;
	v18 =	vmul.f32 v23, v5;
	v17 =	vmul.f32 v23, v6;
	[tilespmem:s30+$0x60] =	vst v21;
	s30 =	sadd.s32 s3, s1  }
0xbf: {  	v20 =	vadd.f32 v24, v1;
	v21 =	vadd.f32 v22, v2;
	[tilespmem:s30+$0x70] =	vst v26  }
0xc0: {  	s31 =	sshrl.u32 s0, $0x3;
	v23 =	vmov s0;
	s0 =	sadd.s32 $0x1, s0;
	v22 =	vadd.f32 v19, v0;
	v19 =	vadd.f32 v25, v7;
	[tilespmem:s30+$0x0] =	vst v27  }
0xc1: {  	v16 =	vperm.xlane v16, v23;
	s0 =	sor.u32 $0x2, s31;
	[tilespmem:s30+$0x10] =	vst v21  }
0xc2: {  	[tilespmem:s30+$0x20] =	vst v20;
	s0 =	smul.u32 $0x6000, s0  }
0xc3: {  	v18 =	vadd.f32 v18, v11;
	[tilespmem:s30+$0x30] =	vst v22;
	v15 =	vmul.f32 v16, v15  }
0xc4: {  	v17 =	vadd.f32 v17, v13;
	s1 =	sadd.s32 $0x80, s29;
	[tilespmem:s30+$0x40] =	vst v19;
	v14 =	vmul.f32 v16, v14;
	s0 =	sshra.s32 s0, $0x2  }
0xc5: {  	s1 =	sand.u32 $0x380, s1;
	v12 =	vmul.f32 v16, v12;
	[tilespmem:s30+$0x50] =	vst v18;
	s0 =	sadd.s32 s0, s28;
	v4 =	vadd.f32 v15, v4  }
0xc6: {  	v10 =	vmul.f32 v16, v10;
	[tilespmem:s30+$0x60] =	vst v17;
	v3 =	vadd.f32 v14, v3;
	s0 =	sadd.s32 s1, s0  }
0xc7: {  	v9 =	vmul.f32 v16, v9;
	v2 =	vadd.f32 v12, v2;
	[tilespmem:s0+$0x70] =	vst v4  }
0xc8: {  	s26 =	sadd.s32 $0x1, s26;
	v60 =	vmul.f32 v16, v5;
	v1 =	vadd.f32 v10, v1;
	[tilespmem:s0+$0x0] =	vst v3  }
0xc9: {  	p1 =	sne.s32 s26, $0x6;
	v61 =	vmul.f32 v16, v6;
	v0 =	vadd.f32 v9, v0;
	[tilespmem:s0+$0x10] =	vst v2  }
.Ltmp2:
0xca: {  	v59 =	vmul.f32 v16, v8;
	v62 =	vadd.f32 v60, v11;
	[tilespmem:s0+$0x20] =	vst v1;
	(pc) =	sbr.rel @p1 .LBB2_3-.Ltmp2, $4  }
0xcb: {  	v63 =	vadd.f32 v61, v13;
	[tilespmem:s0+$0x30] =	vst v0  }
0xcc: {  	v4 =	vadd.f32 v59, v7;
	[tilespmem:s0+$0x50] =	vst v62  }
0xcd: {  	[tilespmem:s0+$0x60] =	vst v63  }
0xce: {  	[tilespmem:s0+$0x40] =	vst v4  }
0xcf: {  	s0 =	sadd.s32 s5, s23  }
0xd0: {  	s0 =	sshrl.u32 s0, $0x3  }
0xd1: {  	s0 =	smul.u32 $0x300, s0;
	_ =	sdelay $0x1  }
0xd2: {  	s0 =	sadd.s32 s2, s0  }
0xd3: {  	[hbm4b:s0+s4] =	stream.linear.scatter [tilespmem:s12], [sflag:$0x1], $0x6000, $0x38;
	[tilespmem:$0x18D00] =	vst v63  }
0xd4: {  	s0 =	simm.s32 @!p0 $0x2  }
0xd5: {  	s1 =	sor.u32 $0x1, s22;
	_ =	swait.ge @!p0 [sflag:s0], $0x6000  }
0xd6: {  	s25 =	simm.s32 $0x0;
	s23 =	sshll.u32 s1, $0x5;
	[sflag:s0] =	ssyncset.done @!p0 $0x0  }
0xd7: {  	s26 =	simm.s32 $0x0;
	s24 =	sand.u32 $0x3FFFFFE0, s23;
	[sflag:s0] =	ssyncadd.s32 @!p0 $0xFFFFA000  }
.LBB2_9:
0xd8: {  	s0 =	sshll.u32 s26, $0xA  }
0xd9: {  	v5 =	vld [tilespmem:s24+$0x0];
	s1 =	sshra.s32 s0, $0x2  }
0xda: {  	v3 =	vld [tilespmem:s1+$0x400]  }
0xdb: {  	v2 =	vld [tilespmem:s1+$0x410]  }
0xdc: {  	v1 =	vld [tilespmem:s1+$0x420]  }
0xdd: {  	s3 =	sshll.u32 s26, $0x7;
	v0 =	vld [tilespmem:s1+$0x430]  }
0xde: {  	s3 =	sand.u32 $0x3FFFFF80, s3;
	v4 =	vld [tilespmem:s1+$0x470]  }
0xdf: {  	v14 =	vld [tilespmem:s3+$0xA00]  }
0xe0: {  	v12 =	vld [tilespmem:s3+$0xA10]  }
0xe1: {  	v10 =	vld [tilespmem:s3+$0xA20]  }
0xe2: {  	v15 =	vld [tilespmem:s3+$0xA70]  }
0xe3: {  	v9 =	vld [tilespmem:s3+$0xA30];
	v16 =	vcvt.s32.f32 v5  }
0xe4: {  	v6 =	vmov s25;
	v8 =	vld [tilespmem:s3+$0xA40]  }
0xe5: {  	v7 =	vld [tilespmem:s1+$0x440];
	v17 =	vperm.xlane v16, v6  }
0xe6: {  	s28 =	simm.s32 $0x0;
	v5 =	vld [tilespmem:s3+$0xA50]  }
0xe7: {  	v6 =	vld [tilespmem:s3+$0xA60];
	s3 =	smul.u32 $0x6000, s28;
	v13 =	vmul.f32 v17, v15  }
0xe8: {  	s0 =	sand.u32 $0x3FFFFC00, s0;
	v11 =	vld [tilespmem:s1+$0x450]  }
0xe9: {  	s28 =	sadd.s32 $0x6D00, s0;
	v18 =	vmul.f32 v17, v14;
	s0 =	sshra.s32 s3, $0x2;
	v19 =	vmul.f32 v17, v12;
	v23 =	vadd.f32 v13, v4;
	v13 =	vld [tilespmem:s1+$0x460]  }
0xea: {  	v20 =	vmul.f32 v17, v10;
	s3 =	sand.u32 $0x380, s25;
	v21 =	vmul.f32 v17, v9;
	s0 =	sadd.s32 s0, s28  }
0xeb: {  	v24 =	vmul.f32 v17, v8;
	v25 =	vadd.f32 v18, v3;
	s29 =	sadd.s32 s3, s0;
	v18 =	vmul.f32 v17, v5  }
0xec: {  	s31 =	simm.s32 $0x1;
	v22 =	vadd.f32 v19, v2;
	v20 =	vadd.f32 v20, v1;
	v17 =	vmul.f32 v17, v6;
	[tilespmem:s29+$0x70] =	vst v23  }
0xed: {  	s30 =	simm.s32 $0x0;
	s0 =	simm.s32 $0x2;
	v21 =	vadd.f32 v21, v0;
	v19 =	vadd.f32 v24, v7;
	v23 =	vmov s31;
	[tilespmem:s29+$0x0] =	vst v25  }
.LBB2_10:
0xee: {  	p1 =	sne.s32 s0, $0xF;
	v23 =	vperm.xlane v16, v23;
	s1 =	sshrl.u32 s31, $0x3;
	[tilespmem:s29+$0x10] =	vst v22;
	v18 =	vadd.f32 v18, v11;
	v22 =	vadd.f32 v17, v13;
	s31 =	smov.u32 s0  }
0xef: {  	s1 =	smul.u32 $0x6000, s1;
	[tilespmem:s29+$0x20] =	vst v20  }
0xf0: {  	v17 =	vmul.f32 v23, v14;
	v20 =	vmul.f32 v23, v15;
	[tilespmem:s29+$0x30] =	vst v21  }
.Ltmp3:
0xf1: {  	s30 =	sadd.s32 $0x80, s30;
	v21 =	vmul.f32 v23, v12;
	v24 =	vmul.f32 v23, v10;
	s1 =	sshra.s32 s1, $0x2;
	[tilespmem:s29+$0x40] =	vst v19;
	(pc) =	sbr.rel @p1 .LBB2_10-.Ltmp3, $4  }
0xf2: {  	s3 =	sand.u32 $0x380, s30;
	v25 =	vmul.f32 v23, v8;
	v19 =	vmul.f32 v23, v9;
	s1 =	sadd.s32 s1, s28;
	v26 =	vadd.f32 v20, v4;
	[tilespmem:s29+$0x50] =	vst v18  }
0xf3: {  	v27 =	vadd.f32 v17, v3;
	v18 =	vmul.f32 v23, v5;
	v17 =	vmul.f32 v23, v6;
	[tilespmem:s29+$0x60] =	vst v22;
	s29 =	sadd.s32 s3, s1  }
0xf4: {  	v20 =	vadd.f32 v24, v1;
	v22 =	vadd.f32 v21, v2;
	[tilespmem:s29+$0x70] =	vst v26  }
0xf5: {  	s0 =	sadd.s32 $0x1, s0;
	v23 =	vmov s31;
	v21 =	vadd.f32 v19, v0;
	v19 =	vadd.f32 v25, v7;
	[tilespmem:s29+$0x0] =	vst v27  }
0xf6: {  	v16 =	vperm.xlane v16, v23;
	s0 =	sshrl.u32 s31, $0x3;
	[tilespmem:s29+$0x10] =	vst v22  }
0xf7: {  	[tilespmem:s29+$0x20] =	vst v20;
	s0 =	smul.u32 $0x6000, s0  }
0xf8: {  	v18 =	vadd.f32 v18, v11;
	[tilespmem:s29+$0x30] =	vst v21;
	v20 =	vmul.f32 v16, v15  }
0xf9: {  	v17 =	vadd.f32 v17, v13;
	s1 =	sadd.s32 $0x80, s30;
	[tilespmem:s29+$0x40] =	vst v19;
	v21 =	vmul.f32 v16, v14;
	s0 =	sshra.s32 s0, $0x2  }
0xfa: {  	s1 =	sand.u32 $0x380, s1;
	v19 =	vmul.f32 v16, v12;
	[tilespmem:s29+$0x50] =	vst v18;
	s0 =	sadd.s32 s0, s28;
	v20 =	vadd.f32 v20, v4  }
0xfb: {  	v18 =	vmul.f32 v16, v10;
	[tilespmem:s29+$0x60] =	vst v17;
	v21 =	vadd.f32 v21, v3;
	s0 =	sadd.s32 s1, s0  }
0xfc: {  	v17 =	vmul.f32 v16, v9;
	v19 =	vadd.f32 v19, v2;
	[tilespmem:s0+$0x70] =	vst v20  }
0xfd: {  	v18 =	vadd.f32 v18, v1;
	v20 =	vmul.f32 v16, v8;
	[tilespmem:s0+$0x0] =	vst v21  }
0xfe: {  	v17 =	vadd.f32 v17, v0;
	v21 =	vmul.f32 v16, v5;
	[tilespmem:s0+$0x10] =	vst v19  }
0xff: {  	v16 =	vmul.f32 v16, v6;
	[tilespmem:s0+$0x20] =	vst v18;
	v19 =	vadd.f32 v20, v7  }
0x100: {  	[tilespmem:s0+$0x30] =	vst v17;
	v18 =	vadd.f32 v21, v11  }
0x101: {  	v16 =	vadd.f32 v16, v13;
	[tilespmem:s0+$0x40] =	vst v19  }
0x102: {  	[tilespmem:s0+$0x50] =	vst v18  }
0x103: {  	[tilespmem:s0+$0x60] =	vst v16  }
0x104: {  	v16 =	vld [tilespmem:s24+$0x10];
	_ =	sdelay $0x4  }
0x105: {  	s29 =	simm.s32 $0x0;
	v16 =	vcvt.s32.f32 v16  }
0x106: {  	s1 =	simm.s32 $0x0;
	v17 =	vmov s29  }
0x107: {  	s0 =	sor.u32 $0x2, s1;
	v17 =	vperm.xlane v16, v17  }
0x108: {  	s0 =	smul.u32 $0x6000, s0  }
0x109: {  	v18 =	vmul.f32 v17, v15  }
0x10a: {  	s0 =	sshra.s32 s0, $0x2;
	v19 =	vmul.f32 v17, v14;
	v20 =	vmul.f32 v17, v12  }
0x10b: {  	s3 =	sand.u32 $0x380, s29;
	s0 =	sadd.s32 s0, s28;
	v22 =	vmul.f32 v17, v10;
	v24 =	vmul.f32 v17, v9;
	v23 =	vadd.f32 v18, v4  }
0x10c: {  	s30 =	sadd.s32 s3, s0;
	v25 =	vmul.f32 v17, v8;
	v19 =	vadd.f32 v19, v3;
	v18 =	vmul.f32 v17, v5  }
0x10d: {  	s3 =	simm.s32 $0x1;
	v17 =	vmul.f32 v17, v6;
	v21 =	vadd.f32 v20, v2;
	v20 =	vadd.f32 v22, v1;
	[tilespmem:s30+$0x70] =	vst v23  }
0x10e: {  	s31 =	simm.s32 $0x0;
	s0 =	simm.s32 $0x2;
	v22 =	vadd.f32 v24, v0;
	v23 =	vmov s3;
	[tilespmem:s30+$0x0] =	vst v19;
	v19 =	vadd.f32 v25, v7  }
.LBB2_12:
0x10f: {  	p1 =	sne.s32 s0, $0xF;
	v23 =	vperm.xlane v16, v23;
	s1 =	sor.u32 $0x2, s31;
	[tilespmem:s30+$0x10] =	vst v21;
	v18 =	vadd.f32 v18, v11;
	v21 =	vadd.f32 v17, v13  }
0x110: {  	s1 =	smul.u32 $0x6000, s1;
	[tilespmem:s30+$0x20] =	vst v20  }
0x111: {  	v17 =	vmul.f32 v23, v14;
	v20 =	vmul.f32 v23, v15;
	[tilespmem:s30+$0x30] =	vst v22  }
.Ltmp4:
0x112: {  	s29 =	sadd.s32 $0x80, s29;
	v22 =	vmul.f32 v23, v12;
	v24 =	vmul.f32 v23, v10;
	s1 =	sshra.s32 s1, $0x2;
	[tilespmem:s30+$0x40] =	vst v19;
	(pc) =	sbr.rel @p1 .LBB2_12-.Ltmp4, $4  }
0x113: {  	s3 =	sand.u32 $0x380, s29;
	v25 =	vmul.f32 v23, v8;
	v19 =	vmul.f32 v23, v9;
	s1 =	sadd.s32 s1, s28;
	v26 =	vadd.f32 v20, v4;
	[tilespmem:s30+$0x50] =	vst v18  }
0x114: {  	v27 =	vadd.f32 v17, v3;
	v18 =	vmul.f32 v23, v5;
	v17 =	vmul.f32 v23, v6;
	[tilespmem:s30+$0x60] =	vst v21;
	s30 =	sadd.s32 s3, s1  }
0x115: {  	v20 =	vadd.f32 v24, v1;
	v21 =	vadd.f32 v22, v2;
	[tilespmem:s30+$0x70] =	vst v26  }
0x116: {  	s31 =	sshrl.u32 s0, $0x3;
	v23 =	vmov s0;
	s0 =	sadd.s32 $0x1, s0;
	v22 =	vadd.f32 v19, v0;
	v19 =	vadd.f32 v25, v7;
	[tilespmem:s30+$0x0] =	vst v27  }
0x117: {  	v16 =	vperm.xlane v16, v23;
	s0 =	sor.u32 $0x2, s31;
	[tilespmem:s30+$0x10] =	vst v21  }
0x118: {  	[tilespmem:s30+$0x20] =	vst v20;
	s0 =	smul.u32 $0x6000, s0  }
0x119: {  	v18 =	vadd.f32 v18, v11;
	[tilespmem:s30+$0x30] =	vst v22;
	v15 =	vmul.f32 v16, v15  }
0x11a: {  	v17 =	vadd.f32 v17, v13;
	s1 =	sadd.s32 $0x80, s29;
	[tilespmem:s30+$0x40] =	vst v19;
	v14 =	vmul.f32 v16, v14;
	s0 =	sshra.s32 s0, $0x2  }
0x11b: {  	s1 =	sand.u32 $0x380, s1;
	v12 =	vmul.f32 v16, v12;
	[tilespmem:s30+$0x50] =	vst v18;
	s0 =	sadd.s32 s0, s28;
	v4 =	vadd.f32 v15, v4  }
0x11c: {  	v10 =	vmul.f32 v16, v10;
	[tilespmem:s30+$0x60] =	vst v17;
	v3 =	vadd.f32 v14, v3;
	s0 =	sadd.s32 s1, s0  }
0x11d: {  	v9 =	vmul.f32 v16, v9;
	v2 =	vadd.f32 v12, v2;
	[tilespmem:s0+$0x70] =	vst v4  }
0x11e: {  	s26 =	sadd.s32 $0x1, s26;
	v60 =	vmul.f32 v16, v5;
	v1 =	vadd.f32 v10, v1;
	[tilespmem:s0+$0x0] =	vst v3  }
0x11f: {  	p1 =	sne.s32 s26, $0x6;
	v61 =	vmul.f32 v16, v6;
	v0 =	vadd.f32 v9, v0;
	[tilespmem:s0+$0x10] =	vst v2  }
.Ltmp5:
0x120: {  	v59 =	vmul.f32 v16, v8;
	v62 =	vadd.f32 v60, v11;
	[tilespmem:s0+$0x20] =	vst v1;
	(pc) =	sbr.rel @p1 .LBB2_9-.Ltmp5, $4  }
0x121: {  	v63 =	vadd.f32 v61, v13;
	[tilespmem:s0+$0x30] =	vst v0  }
0x122: {  	v4 =	vadd.f32 v59, v7;
	[tilespmem:s0+$0x50] =	vst v62  }
0x123: {  	[tilespmem:s0+$0x60] =	vst v63  }
0x124: {  	[tilespmem:s0+$0x40] =	vst v4  }
0x125: {  	s0 =	sadd.s32 s5, s23  }
0x126: {  	s0 =	sshrl.u32 s0, $0x3  }
0x127: {  	s0 =	smul.u32 $0x300, s0;
	_ =	sdelay $0x1  }
0x128: {  	s0 =	sadd.s32 s2, s0  }
0x129: {  	[hbm4b:s0+s4] =	stream.linear.scatter [tilespmem:s13], [sflag:$0x2], $0x6000, $0x38;
	[tilespmem:$0x18D00] =	vst v63  }
0x12a: {  	s0 =	simm.s32 @!p0 $0x3  }
0x12b: {  	s1 =	sor.u32 $0x2, s22;
	_ =	swait.ge @!p0 [sflag:s0], $0x6000  }
0x12c: {  	s25 =	simm.s32 $0x0;
	s23 =	sshll.u32 s1, $0x5;
	[sflag:s0] =	ssyncset.done @!p0 $0x0  }
0x12d: {  	s26 =	simm.s32 $0x0;
	s24 =	sand.u32 $0x3FFFFFE0, s23;
	[sflag:s0] =	ssyncadd.s32 @!p0 $0xFFFFA000  }
.LBB2_15:
0x12e: {  	s0 =	sshll.u32 s26, $0xA  }
0x12f: {  	v5 =	vld [tilespmem:s24+$0x0];
	s1 =	sshra.s32 s0, $0x2  }
0x130: {  	v3 =	vld [tilespmem:s1+$0x400]  }
0x131: {  	v2 =	vld [tilespmem:s1+$0x410]  }
0x132: {  	v1 =	vld [tilespmem:s1+$0x420]  }
0x133: {  	s3 =	sshll.u32 s26, $0x7;
	v0 =	vld [tilespmem:s1+$0x430]  }
0x134: {  	s3 =	sand.u32 $0x3FFFFF80, s3;
	v4 =	vld [tilespmem:s1+$0x470]  }
0x135: {  	v14 =	vld [tilespmem:s3+$0xA00]  }
0x136: {  	v12 =	vld [tilespmem:s3+$0xA10]  }
0x137: {  	v10 =	vld [tilespmem:s3+$0xA20]  }
0x138: {  	v15 =	vld [tilespmem:s3+$0xA70]  }
0x139: {  	v9 =	vld [tilespmem:s3+$0xA30];
	v16 =	vcvt.s32.f32 v5  }
0x13a: {  	v6 =	vmov s25;
	v8 =	vld [tilespmem:s3+$0xA40]  }
0x13b: {  	v7 =	vld [tilespmem:s1+$0x440];
	v17 =	vperm.xlane v16, v6  }
0x13c: {  	s28 =	simm.s32 $0x0;
	v5 =	vld [tilespmem:s3+$0xA50]  }
0x13d: {  	v6 =	vld [tilespmem:s3+$0xA60];
	s3 =	smul.u32 $0x6000, s28;
	v13 =	vmul.f32 v17, v15  }
0x13e: {  	s0 =	sand.u32 $0x3FFFFC00, s0;
	v11 =	vld [tilespmem:s1+$0x450]  }
0x13f: {  	s28 =	sadd.s32 $0xCD00, s0;
	v18 =	vmul.f32 v17, v14;
	s0 =	sshra.s32 s3, $0x2;
	v19 =	vmul.f32 v17, v12;
	v23 =	vadd.f32 v13, v4;
	v13 =	vld [tilespmem:s1+$0x460]  }
0x140: {  	v20 =	vmul.f32 v17, v10;
	s3 =	sand.u32 $0x380, s25;
	v21 =	vmul.f32 v17, v9;
	s0 =	sadd.s32 s0, s28  }
0x141: {  	v24 =	vmul.f32 v17, v8;
	v25 =	vadd.f32 v18, v3;
	s29 =	sadd.s32 s3, s0;
	v18 =	vmul.f32 v17, v5  }
0x142: {  	s31 =	simm.s32 $0x1;
	v22 =	vadd.f32 v19, v2;
	v20 =	vadd.f32 v20, v1;
	v17 =	vmul.f32 v17, v6;
	[tilespmem:s29+$0x70] =	vst v23  }
0x143: {  	s30 =	simm.s32 $0x0;
	s0 =	simm.s32 $0x2;
	v21 =	vadd.f32 v21, v0;
	v19 =	vadd.f32 v24, v7;
	v23 =	vmov s31;
	[tilespmem:s29+$0x0] =	vst v25  }
.LBB2_16:
0x144: {  	p1 =	sne.s32 s0, $0xF;
	v23 =	vperm.xlane v16, v23;
	s1 =	sshrl.u32 s31, $0x3;
	[tilespmem:s29+$0x10] =	vst v22;
	v18 =	vadd.f32 v18, v11;
	v22 =	vadd.f32 v17, v13;
	s31 =	smov.u32 s0  }
0x145: {  	s1 =	smul.u32 $0x6000, s1;
	[tilespmem:s29+$0x20] =	vst v20  }
0x146: {  	v17 =	vmul.f32 v23, v14;
	v20 =	vmul.f32 v23, v15;
	[tilespmem:s29+$0x30] =	vst v21  }
.Ltmp6:
0x147: {  	s30 =	sadd.s32 $0x80, s30;
	v21 =	vmul.f32 v23, v12;
	v24 =	vmul.f32 v23, v10;
	s1 =	sshra.s32 s1, $0x2;
	[tilespmem:s29+$0x40] =	vst v19;
	(pc) =	sbr.rel @p1 .LBB2_16-.Ltmp6, $4  }
0x148: {  	s3 =	sand.u32 $0x380, s30;
	v25 =	vmul.f32 v23, v8;
	v19 =	vmul.f32 v23, v9;
	s1 =	sadd.s32 s1, s28;
	v26 =	vadd.f32 v20, v4;
	[tilespmem:s29+$0x50] =	vst v18  }
0x149: {  	v27 =	vadd.f32 v17, v3;
	v18 =	vmul.f32 v23, v5;
	v17 =	vmul.f32 v23, v6;
	[tilespmem:s29+$0x60] =	vst v22;
	s29 =	sadd.s32 s3, s1  }
0x14a: {  	v20 =	vadd.f32 v24, v1;
	v22 =	vadd.f32 v21, v2;
	[tilespmem:s29+$0x70] =	vst v26  }
0x14b: {  	s0 =	sadd.s32 $0x1, s0;
	v23 =	vmov s31;
	v21 =	vadd.f32 v19, v0;
	v19 =	vadd.f32 v25, v7;
	[tilespmem:s29+$0x0] =	vst v27  }
0x14c: {  	v16 =	vperm.xlane v16, v23;
	s0 =	sshrl.u32 s31, $0x3;
	[tilespmem:s29+$0x10] =	vst v22  }
0x14d: {  	[tilespmem:s29+$0x20] =	vst v20;
	s0 =	smul.u32 $0x6000, s0  }
0x14e: {  	v18 =	vadd.f32 v18, v11;
	[tilespmem:s29+$0x30] =	vst v21;
	v20 =	vmul.f32 v16, v15  }
0x14f: {  	v17 =	vadd.f32 v17, v13;
	s1 =	sadd.s32 $0x80, s30;
	[tilespmem:s29+$0x40] =	vst v19;
	v21 =	vmul.f32 v16, v14;
	s0 =	sshra.s32 s0, $0x2  }
0x150: {  	s1 =	sand.u32 $0x380, s1;
	v19 =	vmul.f32 v16, v12;
	[tilespmem:s29+$0x50] =	vst v18;
	s0 =	sadd.s32 s0, s28;
	v20 =	vadd.f32 v20, v4  }
0x151: {  	v18 =	vmul.f32 v16, v10;
	[tilespmem:s29+$0x60] =	vst v17;
	v21 =	vadd.f32 v21, v3;
	s0 =	sadd.s32 s1, s0  }
0x152: {  	v17 =	vmul.f32 v16, v9;
	v19 =	vadd.f32 v19, v2;
	[tilespmem:s0+$0x70] =	vst v20  }
0x153: {  	v18 =	vadd.f32 v18, v1;
	v20 =	vmul.f32 v16, v8;
	[tilespmem:s0+$0x0] =	vst v21  }
0x154: {  	v17 =	vadd.f32 v17, v0;
	v21 =	vmul.f32 v16, v5;
	[tilespmem:s0+$0x10] =	vst v19  }
0x155: {  	v16 =	vmul.f32 v16, v6;
	[tilespmem:s0+$0x20] =	vst v18;
	v19 =	vadd.f32 v20, v7  }
0x156: {  	[tilespmem:s0+$0x30] =	vst v17;
	v18 =	vadd.f32 v21, v11  }
0x157: {  	v16 =	vadd.f32 v16, v13;
	[tilespmem:s0+$0x40] =	vst v19  }
0x158: {  	[tilespmem:s0+$0x50] =	vst v18  }
0x159: {  	[tilespmem:s0+$0x60] =	vst v16  }
0x15a: {  	v16 =	vld [tilespmem:s24+$0x10];
	_ =	sdelay $0x4  }
0x15b: {  	s29 =	simm.s32 $0x0;
	v16 =	vcvt.s32.f32 v16  }
0x15c: {  	s1 =	simm.s32 $0x0;
	v17 =	vmov s29  }
0x15d: {  	s0 =	sor.u32 $0x2, s1;
	v17 =	vperm.xlane v16, v17  }
0x15e: {  	s0 =	smul.u32 $0x6000, s0  }
0x15f: {  	v18 =	vmul.f32 v17, v15  }
0x160: {  	s0 =	sshra.s32 s0, $0x2;
	v19 =	vmul.f32 v17, v14;
	v20 =	vmul.f32 v17, v12  }
0x161: {  	s3 =	sand.u32 $0x380, s29;
	s0 =	sadd.s32 s0, s28;
	v22 =	vmul.f32 v17, v10;
	v24 =	vmul.f32 v17, v9;
	v23 =	vadd.f32 v18, v4  }
0x162: {  	s30 =	sadd.s32 s3, s0;
	v25 =	vmul.f32 v17, v8;
	v19 =	vadd.f32 v19, v3;
	v18 =	vmul.f32 v17, v5  }
0x163: {  	s3 =	simm.s32 $0x1;
	v17 =	vmul.f32 v17, v6;
	v21 =	vadd.f32 v20, v2;
	v20 =	vadd.f32 v22, v1;
	[tilespmem:s30+$0x70] =	vst v23  }
0x164: {  	s31 =	simm.s32 $0x0;
	s0 =	simm.s32 $0x2;
	v22 =	vadd.f32 v24, v0;
	v23 =	vmov s3;
	[tilespmem:s30+$0x0] =	vst v19;
	v19 =	vadd.f32 v25, v7  }
.LBB2_18:
0x165: {  	p1 =	sne.s32 s0, $0xF;
	v23 =	vperm.xlane v16, v23;
	s1 =	sor.u32 $0x2, s31;
	[tilespmem:s30+$0x10] =	vst v21;
	v18 =	vadd.f32 v18, v11;
	v21 =	vadd.f32 v17, v13  }
0x166: {  	s1 =	smul.u32 $0x6000, s1;
	[tilespmem:s30+$0x20] =	vst v20  }
0x167: {  	v17 =	vmul.f32 v23, v14;
	v20 =	vmul.f32 v23, v15;
	[tilespmem:s30+$0x30] =	vst v22  }
.Ltmp7:
0x168: {  	s29 =	sadd.s32 $0x80, s29;
	v22 =	vmul.f32 v23, v12;
	v24 =	vmul.f32 v23, v10;
	s1 =	sshra.s32 s1, $0x2;
	[tilespmem:s30+$0x40] =	vst v19;
	(pc) =	sbr.rel @p1 .LBB2_18-.Ltmp7, $4  }
0x169: {  	s3 =	sand.u32 $0x380, s29;
	v25 =	vmul.f32 v23, v8;
	v19 =	vmul.f32 v23, v9;
	s1 =	sadd.s32 s1, s28;
	v26 =	vadd.f32 v20, v4;
	[tilespmem:s30+$0x50] =	vst v18  }
0x16a: {  	v27 =	vadd.f32 v17, v3;
	v18 =	vmul.f32 v23, v5;
	v17 =	vmul.f32 v23, v6;
	[tilespmem:s30+$0x60] =	vst v21;
	s30 =	sadd.s32 s3, s1  }
0x16b: {  	v20 =	vadd.f32 v24, v1;
	v21 =	vadd.f32 v22, v2;
	[tilespmem:s30+$0x70] =	vst v26  }
0x16c: {  	s31 =	sshrl.u32 s0, $0x3;
	v23 =	vmov s0;
	s0 =	sadd.s32 $0x1, s0;
	v22 =	vadd.f32 v19, v0;
	v19 =	vadd.f32 v25, v7;
	[tilespmem:s30+$0x0] =	vst v27  }
0x16d: {  	v16 =	vperm.xlane v16, v23;
	s0 =	sor.u32 $0x2, s31;
	[tilespmem:s30+$0x10] =	vst v21  }
0x16e: {  	[tilespmem:s30+$0x20] =	vst v20;
	s0 =	smul.u32 $0x6000, s0  }
0x16f: {  	v18 =	vadd.f32 v18, v11;
	[tilespmem:s30+$0x30] =	vst v22;
	v15 =	vmul.f32 v16, v15  }
0x170: {  	v17 =	vadd.f32 v17, v13;
	s1 =	sadd.s32 $0x80, s29;
	[tilespmem:s30+$0x40] =	vst v19;
	v14 =	vmul.f32 v16, v14;
	s0 =	sshra.s32 s0, $0x2  }
0x171: {  	s1 =	sand.u32 $0x380, s1;
	v12 =	vmul.f32 v16, v12;
	[tilespmem:s30+$0x50] =	vst v18;
	s0 =	sadd.s32 s0, s28;
	v4 =	vadd.f32 v15, v4  }
0x172: {  	v10 =	vmul.f32 v16, v10;
	[tilespmem:s30+$0x60] =	vst v17;
	v3 =	vadd.f32 v14, v3;
	s0 =	sadd.s32 s1, s0  }
0x173: {  	v9 =	vmul.f32 v16, v9;
	v2 =	vadd.f32 v12, v2;
	[tilespmem:s0+$0x70] =	vst v4  }
0x174: {  	s26 =	sadd.s32 $0x1, s26;
	v60 =	vmul.f32 v16, v5;
	v1 =	vadd.f32 v10, v1;
	[tilespmem:s0+$0x0] =	vst v3  }
0x175: {  	p1 =	sne.s32 s26, $0x6;
	v61 =	vmul.f32 v16, v6;
	v0 =	vadd.f32 v9, v0;
	[tilespmem:s0+$0x10] =	vst v2  }
.Ltmp8:
0x176: {  	v59 =	vmul.f32 v16, v8;
	v62 =	vadd.f32 v60, v11;
	[tilespmem:s0+$0x20] =	vst v1;
	(pc) =	sbr.rel @p1 .LBB2_15-.Ltmp8, $4  }
0x177: {  	v63 =	vadd.f32 v61, v13;
	[tilespmem:s0+$0x30] =	vst v0  }
0x178: {  	v4 =	vadd.f32 v59, v7;
	[tilespmem:s0+$0x50] =	vst v62  }
0x179: {  	[tilespmem:s0+$0x60] =	vst v63  }
0x17a: {  	[tilespmem:s0+$0x40] =	vst v4  }
0x17b: {  	s0 =	sadd.s32 s5, s23  }
0x17c: {  	s0 =	sshrl.u32 s0, $0x3  }
0x17d: {  	s0 =	smul.u32 $0x300, s0;
	_ =	sdelay $0x1  }
0x17e: {  	s0 =	sadd.s32 s2, s0  }
0x17f: {  	[hbm4b:s0+s4] =	stream.linear.scatter [tilespmem:s14], [sflag:$0x3], $0x6000, $0x38;
	[tilespmem:$0x18D00] =	vst v63  }
0x180: {  	s0 =	simm.s32 @!p0 $0x4  }
0x181: {  	s1 =	sor.u32 $0x3, s22;
	_ =	swait.ge @!p0 [sflag:s0], $0x6000  }
0x182: {  	s24 =	simm.s32 $0x0;
	s22 =	sshll.u32 s1, $0x5;
	[sflag:s0] =	ssyncset.done @!p0 $0x0  }
0x183: {  	s25 =	simm.s32 $0x0;
	s23 =	sand.u32 $0x3FFFFFE0, s22;
	[sflag:s0] =	ssyncadd.s32 @!p0 $0xFFFFA000  }
.LBB2_21:
0x184: {  	s0 =	sshll.u32 s25, $0xA  }
0x185: {  	v5 =	vld [tilespmem:s23+$0x0];
	s1 =	sshra.s32 s0, $0x2  }
0x186: {  	v3 =	vld [tilespmem:s1+$0x400]  }
0x187: {  	v2 =	vld [tilespmem:s1+$0x410]  }
0x188: {  	v1 =	vld [tilespmem:s1+$0x420]  }
0x189: {  	s3 =	sshll.u32 s25, $0x7;
	v0 =	vld [tilespmem:s1+$0x430]  }
0x18a: {  	s3 =	sand.u32 $0x3FFFFF80, s3;
	v4 =	vld [tilespmem:s1+$0x470]  }
0x18b: {  	v14 =	vld [tilespmem:s3+$0xA00]  }
0x18c: {  	v12 =	vld [tilespmem:s3+$0xA10]  }
0x18d: {  	v10 =	vld [tilespmem:s3+$0xA20]  }
0x18e: {  	v15 =	vld [tilespmem:s3+$0xA70]  }
0x18f: {  	v9 =	vld [tilespmem:s3+$0xA30];
	v16 =	vcvt.s32.f32 v5  }
0x190: {  	v6 =	vmov s24;
	v8 =	vld [tilespmem:s3+$0xA40]  }
0x191: {  	v7 =	vld [tilespmem:s1+$0x440];
	v17 =	vperm.xlane v16, v6  }
0x192: {  	s26 =	simm.s32 $0x0;
	v5 =	vld [tilespmem:s3+$0xA50]  }
0x193: {  	s31 =	smul.u32 $0x6000, s26;
	v6 =	vld [tilespmem:s3+$0xA60];
	v13 =	vmul.f32 v17, v15  }
0x194: {  	s0 =	sand.u32 $0x3FFFFC00, s0;
	v11 =	vld [tilespmem:s1+$0x450]  }
0x195: {  	s26 =	sadd.s32 $0x12D00, s0;
	s3 =	sshra.s32 s31, $0x2;
	v18 =	vmul.f32 v17, v14;
	v19 =	vmul.f32 v17, v12;
	v23 =	vadd.f32 v13, v4;
	v13 =	vld [tilespmem:s1+$0x460]  }
0x196: {  	s31 =	sand.u32 $0x380, s24;
	s0 =	sadd.s32 s3, s26;
	v20 =	vmul.f32 v17, v10;
	v21 =	vmul.f32 v17, v9  }
0x197: {  	v24 =	vmul.f32 v17, v8;
	s28 =	sadd.s32 s31, s0;
	v25 =	vadd.f32 v18, v3;
	v18 =	vmul.f32 v17, v5  }
0x198: {  	s30 =	simm.s32 $0x1;
	v22 =	vadd.f32 v19, v2;
	v20 =	vadd.f32 v20, v1;
	v17 =	vmul.f32 v17, v6;
	[tilespmem:s28+$0x70] =	vst v23  }
0x199: {  	s29 =	simm.s32 $0x0;
	s0 =	simm.s32 $0x2;
	v21 =	vadd.f32 v21, v0;
	v19 =	vadd.f32 v24, v7;
	v23 =	vmov s30;
	[tilespmem:s28+$0x0] =	vst v25  }
.LBB2_22:
0x19a: {  	p0 =	sne.s32 s0, $0xF;
	v23 =	vperm.xlane v16, v23;
	s1 =	sshrl.u32 s30, $0x3;
	[tilespmem:s28+$0x10] =	vst v22;
	v18 =	vadd.f32 v18, v11;
	v22 =	vadd.f32 v17, v13;
	s30 =	smov.u32 s0  }
0x19b: {  	s1 =	smul.u32 $0x6000, s1;
	[tilespmem:s28+$0x20] =	vst v20  }
0x19c: {  	v17 =	vmul.f32 v23, v14;
	v20 =	vmul.f32 v23, v15;
	[tilespmem:s28+$0x30] =	vst v21  }
.Ltmp9:
0x19d: {  	s29 =	sadd.s32 $0x80, s29;
	v21 =	vmul.f32 v23, v12;
	v24 =	vmul.f32 v23, v10;
	s1 =	sshra.s32 s1, $0x2;
	[tilespmem:s28+$0x40] =	vst v19;
	(pc) =	sbr.rel @p0 .LBB2_22-.Ltmp9, $4  }
0x19e: {  	s3 =	sand.u32 $0x380, s29;
	v25 =	vmul.f32 v23, v8;
	v19 =	vmul.f32 v23, v9;
	s1 =	sadd.s32 s1, s26;
	v26 =	vadd.f32 v20, v4;
	[tilespmem:s28+$0x50] =	vst v18  }
0x19f: {  	v27 =	vadd.f32 v17, v3;
	v18 =	vmul.f32 v23, v5;
	v17 =	vmul.f32 v23, v6;
	[tilespmem:s28+$0x60] =	vst v22;
	s28 =	sadd.s32 s3, s1  }
0x1a0: {  	v20 =	vadd.f32 v24, v1;
	v22 =	vadd.f32 v21, v2;
	[tilespmem:s28+$0x70] =	vst v26  }
0x1a1: {  	s0 =	sadd.s32 $0x1, s0;
	v23 =	vmov s30;
	v21 =	vadd.f32 v19, v0;
	v19 =	vadd.f32 v25, v7;
	[tilespmem:s28+$0x0] =	vst v27  }
0x1a2: {  	v16 =	vperm.xlane v16, v23;
	s0 =	sshrl.u32 s30, $0x3;
	[tilespmem:s28+$0x10] =	vst v22  }
0x1a3: {  	[tilespmem:s28+$0x20] =	vst v20;
	s0 =	smul.u32 $0x6000, s0  }
0x1a4: {  	v18 =	vadd.f32 v18, v11;
	[tilespmem:s28+$0x30] =	vst v21;
	v20 =	vmul.f32 v16, v15  }
0x1a5: {  	v17 =	vadd.f32 v17, v13;
	s1 =	sadd.s32 $0x80, s29;
	[tilespmem:s28+$0x40] =	vst v19;
	v21 =	vmul.f32 v16, v14;
	s0 =	sshra.s32 s0, $0x2  }
0x1a6: {  	s1 =	sand.u32 $0x380, s1;
	v19 =	vmul.f32 v16, v12;
	[tilespmem:s28+$0x50] =	vst v18;
	s0 =	sadd.s32 s0, s26;
	v20 =	vadd.f32 v20, v4  }
0x1a7: {  	v18 =	vmul.f32 v16, v10;
	[tilespmem:s28+$0x60] =	vst v17;
	v21 =	vadd.f32 v21, v3;
	s0 =	sadd.s32 s1, s0  }
0x1a8: {  	v17 =	vmul.f32 v16, v9;
	v19 =	vadd.f32 v19, v2;
	[tilespmem:s0+$0x70] =	vst v20  }
0x1a9: {  	v18 =	vadd.f32 v18, v1;
	v20 =	vmul.f32 v16, v8;
	[tilespmem:s0+$0x0] =	vst v21  }
0x1aa: {  	v17 =	vadd.f32 v17, v0;
	v21 =	vmul.f32 v16, v5;
	[tilespmem:s0+$0x10] =	vst v19  }
0x1ab: {  	v16 =	vmul.f32 v16, v6;
	[tilespmem:s0+$0x20] =	vst v18;
	v19 =	vadd.f32 v20, v7  }
0x1ac: {  	[tilespmem:s0+$0x30] =	vst v17;
	v18 =	vadd.f32 v21, v11  }
0x1ad: {  	v16 =	vadd.f32 v16, v13;
	[tilespmem:s0+$0x40] =	vst v19  }
0x1ae: {  	[tilespmem:s0+$0x50] =	vst v18  }
0x1af: {  	[tilespmem:s0+$0x60] =	vst v16  }
0x1b0: {  	v16 =	vld [tilespmem:s23+$0x10];
	_ =	sdelay $0x4  }
0x1b1: {  	s28 =	simm.s32 $0x0;
	v16 =	vcvt.s32.f32 v16  }
0x1b2: {  	s1 =	simm.s32 $0x0;
	v17 =	vmov s28  }
0x1b3: {  	s0 =	sor.u32 $0x2, s1;
	v17 =	vperm.xlane v16, v17  }
0x1b4: {  	s0 =	smul.u32 $0x6000, s0  }
0x1b5: {  	v18 =	vmul.f32 v17, v15  }
0x1b6: {  	s0 =	sshra.s32 s0, $0x2;
	v19 =	vmul.f32 v17, v14;
	v20 =	vmul.f32 v17, v12  }
0x1b7: {  	s3 =	sand.u32 $0x380, s28;
	s0 =	sadd.s32 s0, s26;
	v22 =	vmul.f32 v17, v10;
	v24 =	vmul.f32 v17, v9;
	v23 =	vadd.f32 v18, v4  }
0x1b8: {  	s29 =	sadd.s32 s3, s0;
	v25 =	vmul.f32 v17, v8;
	v19 =	vadd.f32 v19, v3;
	v18 =	vmul.f32 v17, v5  }
0x1b9: {  	s31 =	simm.s32 $0x1;
	v17 =	vmul.f32 v17, v6;
	v21 =	vadd.f32 v20, v2;
	v20 =	vadd.f32 v22, v1;
	[tilespmem:s29+$0x70] =	vst v23  }
0x1ba: {  	s30 =	simm.s32 $0x0;
	s0 =	simm.s32 $0x2;
	v22 =	vadd.f32 v24, v0;
	v23 =	vmov s31;
	[tilespmem:s29+$0x0] =	vst v19;
	v19 =	vadd.f32 v25, v7  }
.LBB2_24:
0x1bb: {  	p0 =	sne.s32 s0, $0xF;
	v23 =	vperm.xlane v16, v23;
	s1 =	sor.u32 $0x2, s30;
	[tilespmem:s29+$0x10] =	vst v21;
	v18 =	vadd.f32 v18, v11;
	v21 =	vadd.f32 v17, v13  }
0x1bc: {  	s1 =	smul.u32 $0x6000, s1;
	[tilespmem:s29+$0x20] =	vst v20  }
0x1bd: {  	v17 =	vmul.f32 v23, v14;
	v20 =	vmul.f32 v23, v15;
	[tilespmem:s29+$0x30] =	vst v22  }
.Ltmp10:
0x1be: {  	s28 =	sadd.s32 $0x80, s28;
	v22 =	vmul.f32 v23, v12;
	v24 =	vmul.f32 v23, v10;
	s1 =	sshra.s32 s1, $0x2;
	[tilespmem:s29+$0x40] =	vst v19;
	(pc) =	sbr.rel @p0 .LBB2_24-.Ltmp10, $4  }
0x1bf: {  	s3 =	sand.u32 $0x380, s28;
	v25 =	vmul.f32 v23, v8;
	v19 =	vmul.f32 v23, v9;
	s1 =	sadd.s32 s1, s26;
	v26 =	vadd.f32 v20, v4;
	[tilespmem:s29+$0x50] =	vst v18  }
0x1c0: {  	v27 =	vadd.f32 v17, v3;
	v18 =	vmul.f32 v23, v5;
	v17 =	vmul.f32 v23, v6;
	[tilespmem:s29+$0x60] =	vst v21;
	s29 =	sadd.s32 s3, s1  }
0x1c1: {  	v20 =	vadd.f32 v24, v1;
	v21 =	vadd.f32 v22, v2;
	[tilespmem:s29+$0x70] =	vst v26  }
0x1c2: {  	s30 =	sshrl.u32 s0, $0x3;
	v23 =	vmov s0;
	s0 =	sadd.s32 $0x1, s0;
	v22 =	vadd.f32 v19, v0;
	v19 =	vadd.f32 v25, v7;
	[tilespmem:s29+$0x0] =	vst v27  }
0x1c3: {  	v16 =	vperm.xlane v16, v23;
	s0 =	sor.u32 $0x2, s30;
	[tilespmem:s29+$0x10] =	vst v21  }
0x1c4: {  	[tilespmem:s29+$0x20] =	vst v20;
	s0 =	smul.u32 $0x6000, s0  }
0x1c5: {  	v18 =	vadd.f32 v18, v11;
	[tilespmem:s29+$0x30] =	vst v22;
	v15 =	vmul.f32 v16, v15  }
0x1c6: {  	v17 =	vadd.f32 v17, v13;
	s1 =	sadd.s32 $0x80, s28;
	[tilespmem:s29+$0x40] =	vst v19;
	v14 =	vmul.f32 v16, v14;
	s0 =	sshra.s32 s0, $0x2  }
0x1c7: {  	s1 =	sand.u32 $0x380, s1;
	v12 =	vmul.f32 v16, v12;
	[tilespmem:s29+$0x50] =	vst v18;
	s0 =	sadd.s32 s0, s26;
	v4 =	vadd.f32 v15, v4  }
0x1c8: {  	v10 =	vmul.f32 v16, v10;
	[tilespmem:s29+$0x60] =	vst v17;
	v3 =	vadd.f32 v14, v3;
	s0 =	sadd.s32 s1, s0  }
0x1c9: {  	v9 =	vmul.f32 v16, v9;
	v2 =	vadd.f32 v12, v2;
	[tilespmem:s0+$0x70] =	vst v4  }
0x1ca: {  	s25 =	sadd.s32 $0x1, s25;
	v60 =	vmul.f32 v16, v5;
	v1 =	vadd.f32 v10, v1;
	[tilespmem:s0+$0x0] =	vst v3  }
0x1cb: {  	p0 =	sne.s32 s25, $0x6;
	v61 =	vmul.f32 v16, v6;
	v0 =	vadd.f32 v9, v0;
	[tilespmem:s0+$0x10] =	vst v2  }
.Ltmp11:
0x1cc: {  	v59 =	vmul.f32 v16, v8;
	v62 =	vadd.f32 v60, v11;
	[tilespmem:s0+$0x20] =	vst v1;
	(pc) =	sbr.rel @p0 .LBB2_21-.Ltmp11, $4  }
0x1cd: {  	v63 =	vadd.f32 v61, v13;
	[tilespmem:s0+$0x30] =	vst v0  }
0x1ce: {  	v4 =	vadd.f32 v59, v7;
	[tilespmem:s0+$0x50] =	vst v62  }
0x1cf: {  	[tilespmem:s0+$0x60] =	vst v63  }
0x1d0: {  	[tilespmem:s0+$0x40] =	vst v4  }
0x1d1: {  	s21 =	sadd.s32 $0x1, s21  }
0x1d2: {  	s0 =	sadd.s32 s5, s22;
	p0 =	sne.s32 s21, $0x8  }
.Ltmp12:
0x1d3: {  	s0 =	sshrl.u32 s0, $0x3;
	(pc) =	sbr.rel @p0 .LBB2_2-.Ltmp12, $3  }
0x1d4: {  	s0 =	smul.u32 $0x300, s0;
	_ =	sdelay $0x1  }
0x1d5: {  	s0 =	sadd.s32 s2, s0  }
0x1d6: {  	[hbm4b:s0+s4] =	stream.linear.scatter [tilespmem:s15], [sflag:$0x4], $0x6000, $0x38;
	[tilespmem:$0x18D00] =	vst v63  }
0x1d7: {  	_ =	swait.ge [sflag:s16], $0x6000  }
0x1d8: {  	[sflag:s16] =	ssyncset.done $0x0  }
0x1d9: {  	[sflag:s16] =	ssyncadd.s32 $0xFFFFA000  }
0x1da: {  	_ =	swait.ge [sflag:s17], $0x6000  }
0x1db: {  	[sflag:s17] =	ssyncset.done $0x0  }
0x1dc: {  	s20 =	sadd.s32 $0x1, s20;
	[sflag:s17] =	ssyncadd.s32 $0xFFFFA000  }
0x1dd: {  	p0 =	sne.s32 s20, s7;
	_ =	swait.ge [sflag:s18], $0x6000  }
.Ltmp13:
0x1de: {  	[sflag:s18] =	ssyncset.done $0x0;
	(pc) =	sbr.rel @p0 .LBB2_1-.Ltmp13, $4  }
0x1df: {  	[sflag:s18] =	ssyncadd.s32 $0xFFFFA000  }
0x1e0: {  	_ =	swait.ge [sflag:s19], $0x6000  }
0x1e1: {  	[sflag:s19] =	ssyncset.done $0x0  }
0x1e2: {  	[sflag:s19] =	ssyncadd.s32 $0xFFFFA000  }
0x1e3: {  	_ =	sfence.sel $0x180000  }
0x1e4: {  	[bflag:$0x0] =	sbarrier.arrive $0xFFFF  }
0x1e5: {  	_ =	strace $0x90000047  }
0x1e6: {  	s0 =	stileid.u32;
	[bflag:$0x2] =	sbarrier.arrive $0xFFFF  }
0x1e7: {  	p0 =	sne.s32 s0, $0x0;
	s0 =	rddreg [dreg:$0x3]  }
0x1e8: {  	s0 =	sadd.s32 @!p0 $0x100000, s0  }
0x1e9: {  	[sflag:s0] =	ssyncadd.tile.s32 @!p0 $0x1;
	_ =	shalt  }
.Lfunc_end2:
_tile_overlayer_lowered:
.L_overlay_start_2:
0x1ea: {  	(tag) =	ssettag $0x2  }
0x1eb: {  	s0 =	rddreg [dreg:$0x0];
	s2 =	stileid.u32  }
0x1ec: {  	s1 =	rddreg [dreg:$0x1];
	p0 =	sne.s32 s2, $0x0  }
0x1ed: {  	s3 =	rddreg [dreg:$0x2];
	[bflag:$0x3] =	sbarrier.arrive $0xFFFF;
	s2 =	simm.s32 @!p0 $0x1C05  }
0x1ee: {  	[timem:s3], [sflag:s2] =	dma.local @!p0 [hbm:s0], s1  }
0x1ef: {  	s0 =	simm.s32 @!p0 $0x5  }
0x1f0: {  	_ =	swait.ge @!p0 [sflag:s0], s1  }
0x1f1: {  	s1 =	ssub.s32 @!p0 $0x0, s1;
	[sflag:s0] =	ssyncset.done @!p0 $0x0  }
0x1f2: {  	[sflag:s0] =	ssyncadd.s32 @!p0 s1  }
0x1f3: {  	[bflag:$0x3] =	sbarrier.arrive $0xFFFF  }
0x1f4: {  	_ =	shalt  }

</sc_bundles>
